<compile_context>
chip_gen: v7x
topology: tpu7x:2x2x1
jax: 0.10.2.dev20260603
libtpu: 0.0.44.dev20260713+nightly
codegen_flags: <defaults>
</compile_context>

<pallas_src>
import functools

import jax
import jax.numpy as jnp
from jax import lax
from jax.experimental import pallas as pl
from jax.experimental.pallas import tpu as pltpu
from jax.experimental.pallas import tpu_sc as plsc

_N = 4096
_M = 20
_K = 1000
_CI = 128
_NCHUNK = _M * (_N // _CI)
_H0 = 512
_H1 = _K - _H0


def _make_sc_kernel():
    info = plsc.get_sparse_core_info()
    nc, ns = info.num_cores, info.num_subcores
    nw = nc * ns
    cpw = _NCHUNK // nw
    mesh = plsc.VectorSubcoreMesh(core_axis_name="c", subcore_axis_name="s")

    @functools.partial(
        pl.kernel,
        mesh=mesh,
        compiler_params=pltpu.CompilerParams(needs_layout_passes=False),
        out_type=jax.ShapeDtypeStruct((_M * _K, _N), jnp.float32),
        scratch_types=[
            pltpu.VMEM((_H0, _CI), jnp.float32),
            pltpu.VMEM((_H1, _CI), jnp.float32),
            pltpu.VMEM((_NCHUNK // 32 * _CI,), jnp.int32),
            pltpu.SemaphoreType.DMA,
            pltpu.SemaphoreType.DMA,
        ],
    )
    def sc_onehot(idx_hbm, out_hbm, buf0, buf1, idx_v, sem0, sem1):
        wid = lax.axis_index("s") * nc + lax.axis_index("c")
        lanes = lax.iota(jnp.int32, 16)
        ones = jnp.ones((16,), jnp.float32)
        zeros = jnp.zeros((16,), jnp.float32)
        halves = ((buf0, sem0, 0, _H0), (buf1, sem1, _H0, _H1))

        pltpu.sync_copy(idx_hbm.at[pl.ds(wid * cpw * _CI, cpw * _CI)], idx_v)

        for _buf, _sz in ((buf0, _H0), (buf1, _H1)):
            def zero_body(z, _, _buf=_buf):
                cell = lanes + z * 16
                plsc.store_scatter(_buf, [cell // _CI, cell % _CI], zeros)
                return _

            lax.fori_loop(0, _sz * _CI // 16, zero_body, None, unroll=8)

        def scatter(buf, c, base, size, vals):
            def grp(g, _):
                ids = idx_v[pl.ds(c * _CI + g * 16, 16)]
                rel = ids - base
                msk = jnp.logical_and(rel >= 0, rel < size)
                rel = jnp.where(msk, rel, 0)
                plsc.store_scatter(
                    buf, [rel, lanes + g * 16], vals, mask=msk)
                return _

            lax.fori_loop(0, _CI // 16, grp, None, unroll=8)

        def dst(c, base, size):
            chunk = wid * cpw + c
            j = chunk // (_N // _CI)
            i0 = (chunk % (_N // _CI)) * _CI
            return out_hbm.at[pl.ds(j * _K + base, size), pl.ds(i0, _CI)]

        def chunk_body(c, _):
            for buf, sem, base, size in halves:
                @pl.when(c > 0)
                def _drain():
                    pltpu.make_async_copy(
                        buf, dst(c - 1, base, size), sem).wait()
                    scatter(buf, c - 1, base, size, zeros)

                scatter(buf, c, base, size, ones)
                pltpu.make_async_copy(buf, dst(c, base, size), sem).start()
            return _

        lax.fori_loop(0, cpw, chunk_body, None)
        for buf, sem, base, size in halves:
            pltpu.make_async_copy(buf, dst(cpw - 1, base, size), sem).wait()

    return sc_onehot


def kernel(inputs):
    idx_flat = inputs.T.reshape(-1)
    out2d = _make_sc_kernel()(idx_flat)
    out_t = out2d.reshape(_M, _K, _N)
    return jnp.transpose(out_t, (2, 0, 1))

# --- scband reference (transcript-rebuilt; emitter-appended) ---
"""Pipeline reference for scband-one-hot-layer-72327249264800 (READ-ONLY COPY).

The authoritative reference and input builder live on the scoring server;
editing this copy changes nothing except your own understanding.
"""

import jax, jax.numpy as jnp
import numpy as np

N_EMBEDDINGS = 1000

def setup_inputs(seed: int = 0) -> dict:
    key = jax.random.key(seed)
    inputs = jax.random.randint(key, (4096, 20), 0, N_EMBEDDINGS, dtype=jnp.int64 if jax.config.read('jax_enable_x64') else jnp.int32)
    return {"inputs": inputs}

def reference(inputs) -> jnp.ndarray:
    # Faithful translation of tf.one_hot(inputs, n_embeddings)
    # tf.one_hot defaults: on_value=1.0, off_value=0.0, dtype=float32,
    # one-hot axis appended as the last axis.
    return jax.nn.one_hot(inputs, N_EMBEDDINGS, dtype=jnp.float32)

if __name__ == "__main__":
    import jax
    _d = setup_inputs()
    print(jax.jit(kernel)(*tuple(_d.values())))

</pallas_src>

<mosaic_0001>
#map = affine_map<(d0, d1) -> (0)>
#map1 = affine_map<(d0, d1) -> (0, 0)>
module attributes {stable_mosaic.version = 14 : i64} {
  func.func @sc_onehot(%arg0: i32, %arg1: i32, %arg2: memref<81920xi32, #tpu.memory_space<hbm>>, %arg3: memref<20000x4096xf32, #tpu.memory_space<hbm>>, %arg4: memref<512x128xf32, #tpu.memory_space<vmem>>, %arg5: memref<488x128xf32, #tpu.memory_space<vmem>>, %arg6: memref<2560xi32, #tpu.memory_space<vmem>>, %arg7: memref<!tpu.dma_semaphore, #tpu.memory_space<semaphore_mem>>, %arg8: memref<!tpu.dma_semaphore, #tpu.memory_space<semaphore_mem>>) attributes {dimension_semantics = [#tpu.dimension_semantics<core_parallel>, #tpu.dimension_semantics<subcore_parallel>], iteration_bounds = array<i64: 2, 16>, scalar_prefetch = 0 : i64, scratch_operands = 5 : i64, tpu.core_type = #tpu.core_type<sc_vector_subcore>, window_params = [{transform_indices = #map}, {transform_indices = #map1}]} {
    %mul3A = arith.constant 2 : i32
    %mul3A_0 = arith.muli %arg1, %mul3A : i32
    %add3A = arith.addi %mul3A_0, %arg0 : i32
    %iota3A = tpu.iota {dimensions = array<i32: 0>} : vector<16xi32>
    %broadcast_in_dim3A = arith.constant 1.000000e+00 : f32
    %broadcast_in_dim3A_1 = vector.broadcast %broadcast_in_dim3A : f32 to vector<16xf32>
    %broadcast_in_dim3A_2 = arith.constant 0.000000e+00 : f32
    %broadcast_in_dim3A_3 = vector.broadcast %broadcast_in_dim3A_2 : f32 to vector<16xf32>
    %mul3A_4 = arith.constant 20 : i32
    %mul3A_5 = arith.muli %add3A, %mul3A_4 : i32
    %mul3A_6 = arith.constant 128 : i32
    %mul3A_7 = arith.muli %mul3A_5, %mul3A_6 : i32
    "tpu.region"() ({
      %run_scoped3A = tpu.sem_alloc : memref<!tpu.dma_semaphore, #tpu.memory_space<semaphore_mem>>
      %dma_start3A = tpu.memref_slice %arg2[%mul3A_7] : memref<81920xi32, #tpu.memory_space<hbm>> -> memref<2560xi32, #tpu.memory_space<hbm>>
      %dma_start3A_115 = tpu.memref_slice %arg2[%mul3A_7] : memref<81920xi32, #tpu.memory_space<hbm>> -> memref<2560xi32, #tpu.memory_space<hbm>>
      tpu.enqueue_dma source(%dma_start3A_115 : memref<2560xi32, #tpu.memory_space<hbm>>) target(%arg6 : memref<2560xi32, #tpu.memory_space<vmem>>) target_semaphore(%run_scoped3A : memref<!tpu.dma_semaphore, #tpu.memory_space<semaphore_mem>>)
      %dma_wait3A_116 = tpu.memref_slice %arg2[%mul3A_7] : memref<81920xi32, #tpu.memory_space<hbm>> -> memref<2560xi32, #tpu.memory_space<hbm>>
      %dma_wait3A_117 = tpu.memref_slice %arg2[%mul3A_7] : memref<81920xi32, #tpu.memory_space<hbm>> -> memref<2560xi32, #tpu.memory_space<hbm>>
      tpu.wait_dma2 semaphore(%run_scoped3A : memref<!tpu.dma_semaphore, #tpu.memory_space<semaphore_mem>>) src(%dma_wait3A_117 : memref<2560xi32, #tpu.memory_space<hbm>>) dst(%arg6 : memref<2560xi32, #tpu.memory_space<vmem>>)
      tpu.yield
    }) : () -> ()
    %scan3A = arith.constant 0 : i32
    %scan3A_8 = arith.constant 4096 : i32
    %scan3A_9 = arith.addi %scan3A, %scan3A_8 : i32
    %scan3A_10 = arith.constant 8 : i32
    scf.for %scan3A_115 = %scan3A to %scan3A_9 step %scan3A_10  : i32 {
      %mul3A_116 = arith.constant 16 : i32
      %mul3A_117 = arith.muli %scan3A_115, %mul3A_116 : i32
      %add3A_118 = vector.broadcast %mul3A_117 : i32 to vector<16xi32>
      %add3A_119 = arith.addi %iota3A, %add3A_118 : vector<16xi32>
      %jit3A_120 = arith.constant 128 : i32
      %div3A_121 = vector.broadcast %jit3A_120 : i32 to vector<16xi32>
      %div3A_122 = arith.divsi %add3A_119, %div3A_121 : vector<16xi32>
      %sign3A_123 = arith.constant 0 : i32
      %sign3A_124 = vector.broadcast %sign3A_123 : i32 to vector<16xi32>
      %sign3A_125 = arith.cmpi sgt, %add3A_119, %sign3A_124 : vector<16xi32>
      %sign3A_126 = arith.extui %sign3A_125 : vector<16xi1> to vector<16xi32>
      %sign3A_127 = arith.constant 0 : i32
      %sign3A_128 = vector.broadcast %sign3A_127 : i32 to vector<16xi32>
      %sign3A_129 = arith.cmpi slt, %add3A_119, %sign3A_128 : vector<16xi32>
      %sign3A_130 = arith.extui %sign3A_129 : vector<16xi1> to vector<16xi32>
      %sign3A_131 = arith.subi %sign3A_126, %sign3A_130 : vector<16xi32>
      %sign3A_132 = arith.constant 0 : i32
      %sign3A_133 = arith.cmpi sgt, %jit3A_120, %sign3A_132 : i32
      %sign3A_134 = arith.extui %sign3A_133 : i1 to i32
      %sign3A_135 = arith.constant 0 : i32
      %sign3A_136 = arith.cmpi slt, %jit3A_120, %sign3A_135 : i32
      %sign3A_137 = arith.extui %sign3A_136 : i1 to i32
      %sign3A_138 = arith.subi %sign3A_134, %sign3A_137 : i32
      %ne3A_139 = vector.broadcast %sign3A_138 : i32 to vector<16xi32>
      %ne3A_140 = arith.cmpi ne, %sign3A_131, %ne3A_139 : vector<16xi32>
      %rem3A_141 = vector.broadcast %jit3A_120 : i32 to vector<16xi32>
      %rem3A_142 = arith.remsi %add3A_119, %rem3A_141 : vector<16xi32>
      %ne3A_143 = arith.constant 0 : i32
      %ne3A_144 = vector.broadcast %ne3A_143 : i32 to vector<16xi32>
      %ne3A_145 = arith.cmpi ne, %rem3A_142, %ne3A_144 : vector<16xi32>
      %and3A_146 = arith.andi %ne3A_140, %ne3A_145 : vector<16xi1>
      %sub3A_147 = arith.constant 1 : i32
      %sub3A_148 = vector.broadcast %sub3A_147 : i32 to vector<16xi32>
      %sub3A_149 = arith.subi %div3A_122, %sub3A_148 : vector<16xi32>
      %select_n3A_150 = arith.select %and3A_146, %sub3A_149, %div3A_122 : vector<16xi1>, vector<16xi32>
      %jit3A_151 = arith.constant 128 : i32
      %eq3A_152 = arith.constant 0 : i32
      %eq3A_153 = arith.cmpi eq, %jit3A_151, %eq3A_152 : i32
      %jit3A_154 = arith.constant 1 : i32
      %select_n3A_155 = arith.select %eq3A_153, %jit3A_154, %jit3A_151 : i32
      %rem3A_156 = vector.broadcast %select_n3A_155 : i32 to vector<16xi32>
      %rem3A_157 = arith.remsi %add3A_119, %rem3A_156 : vector<16xi32>
      %ne3A_158 = arith.constant 0 : i32
      %ne3A_159 = vector.broadcast %ne3A_158 : i32 to vector<16xi32>
      %ne3A_160 = arith.cmpi ne, %rem3A_157, %ne3A_159 : vector<16xi32>
      %lt3A_161 = arith.constant 0 : i32
      %lt3A_162 = vector.broadcast %lt3A_161 : i32 to vector<16xi32>
      %lt3A_163 = arith.cmpi slt, %rem3A_157, %lt3A_162 : vector<16xi32>
      %lt3A_164 = arith.constant 0 : i32
      %lt3A_165 = arith.cmpi slt, %select_n3A_155, %lt3A_164 : i32
      %ne3A_166 = vector.broadcast %lt3A_165 : i1 to vector<16xi1>
      %ne3A_167 = vector.broadcast %ne3A_166 : vector<16xi1> to vector<16xi1>
      %ne3A_168 = arith.xori %lt3A_163, %ne3A_167 : vector<16xi1>
      %and3A_169 = arith.andi %ne3A_168, %ne3A_160 : vector<16xi1>
      %add3A_170 = vector.broadcast %select_n3A_155 : i32 to vector<16xi32>
      %add3A_171 = arith.addi %rem3A_157, %add3A_170 : vector<16xi32>
      %select_n3A_172 = arith.select %and3A_169, %add3A_171, %rem3A_157 : vector<16xi1>, vector<16xi32>
      tpu.vector_store_idx %arg4[%select_n3A_150, %select_n3A_172], %broadcast_in_dim3A_3 : memref<512x128xf32, #tpu.memory_space<vmem>>[vector<16xi32>, vector<16xi32>], vector<16xf32>,
      %scan3A_173 = arith.constant 1 : i32
      %scan3A_174 = arith.addi %scan3A_115, %scan3A_173 : i32
      %mul3A_175 = arith.constant 16 : i32
      %mul3A_176 = arith.muli %scan3A_174, %mul3A_175 : i32
      %add3A_177 = vector.broadcast %mul3A_176 : i32 to vector<16xi32>
      %add3A_178 = arith.addi %iota3A, %add3A_177 : vector<16xi32>
      %jit3A_179 = arith.constant 128 : i32
      %div3A_180 = vector.broadcast %jit3A_179 : i32 to vector<16xi32>
      %div3A_181 = arith.divsi %add3A_178, %div3A_180 : vector<16xi32>
      %sign3A_182 = arith.constant 0 : i32
      %sign3A_183 = vector.broadcast %sign3A_182 : i32 to vector<16xi32>
      %sign3A_184 = arith.cmpi sgt, %add3A_178, %sign3A_183 : vector<16xi32>
      %sign3A_185 = arith.extui %sign3A_184 : vector<16xi1> to vector<16xi32>
      %sign3A_186 = arith.constant 0 : i32
      %sign3A_187 = vector.broadcast %sign3A_186 : i32 to vector<16xi32>
      %sign3A_188 = arith.cmpi slt, %add3A_178, %sign3A_187 : vector<16xi32>
      %sign3A_189 = arith.extui %sign3A_188 : vector<16xi1> to vector<16xi32>
      %sign3A_190 = arith.subi %sign3A_185, %sign3A_189 : vector<16xi32>
      %sign3A_191 = arith.constant 0 : i32
      %sign3A_192 = arith.cmpi sgt, %jit3A_179, %sign3A_191 : i32
      %sign3A_193 = arith.extui %sign3A_192 : i1 to i32
      %sign3A_194 = arith.constant 0 : i32
      %sign3A_195 = arith.cmpi slt, %jit3A_179, %sign3A_194 : i32
      %sign3A_196 = arith.extui %sign3A_195 : i1 to i32
      %sign3A_197 = arith.subi %sign3A_193, %sign3A_196 : i32
      %ne3A_198 = vector.broadcast %sign3A_197 : i32 to vector<16xi32>
      %ne3A_199 = arith.cmpi ne, %sign3A_190, %ne3A_198 : vector<16xi32>
      %rem3A_200 = vector.broadcast %jit3A_179 : i32 to vector<16xi32>
      %rem3A_201 = arith.remsi %add3A_178, %rem3A_200 : vector<16xi32>
      %ne3A_202 = arith.constant 0 : i32
      %ne3A_203 = vector.broadcast %ne3A_202 : i32 to vector<16xi32>
      %ne3A_204 = arith.cmpi ne, %rem3A_201, %ne3A_203 : vector<16xi32>
      %and3A_205 = arith.andi %ne3A_199, %ne3A_204 : vector<16xi1>
      %sub3A_206 = arith.constant 1 : i32
      %sub3A_207 = vector.broadcast %sub3A_206 : i32 to vector<16xi32>
      %sub3A_208 = arith.subi %div3A_181, %sub3A_207 : vector<16xi32>
      %select_n3A_209 = arith.select %and3A_205, %sub3A_208, %div3A_181 : vector<16xi1>, vector<16xi32>
      %jit3A_210 = arith.constant 128 : i32
      %eq3A_211 = arith.constant 0 : i32
      %eq3A_212 = arith.cmpi eq, %jit3A_210, %eq3A_211 : i32
      %jit3A_213 = arith.constant 1 : i32
      %select_n3A_214 = arith.select %eq3A_212, %jit3A_213, %jit3A_210 : i32
      %rem3A_215 = vector.broadcast %select_n3A_214 : i32 to vector<16xi32>
      %rem3A_216 = arith.remsi %add3A_178, %rem3A_215 : vector<16xi32>
      %ne3A_217 = arith.constant 0 : i32
      %ne3A_218 = vector.broadcast %ne3A_217 : i32 to vector<16xi32>
      %ne3A_219 = arith.cmpi ne, %rem3A_216, %ne3A_218 : vector<16xi32>
      %lt3A_220 = arith.constant 0 : i32
      %lt3A_221 = vector.broadcast %lt3A_220 : i32 to vector<16xi32>
      %lt3A_222 = arith.cmpi slt, %rem3A_216, %lt3A_221 : vector<16xi32>
      %lt3A_223 = arith.constant 0 : i32
      %lt3A_224 = arith.cmpi slt, %select_n3A_214, %lt3A_223 : i32
      %ne3A_225 = vector.broadcast %lt3A_224 : i1 to vector<16xi1>
      %ne3A_226 = vector.broadcast %ne3A_225 : vector<16xi1> to vector<16xi1>
      %ne3A_227 = arith.xori %lt3A_222, %ne3A_226 : vector<16xi1>
      %and3A_228 = arith.andi %ne3A_227, %ne3A_219 : vector<16xi1>
      %add3A_229 = vector.broadcast %select_n3A_214 : i32 to vector<16xi32>
      %add3A_230 = arith.addi %rem3A_216, %add3A_229 : vector<16xi32>
      %select_n3A_231 = arith.select %and3A_228, %add3A_230, %rem3A_216 : vector<16xi1>, vector<16xi32>
      tpu.vector_store_idx %arg4[%select_n3A_209, %select_n3A_231], %broadcast_in_dim3A_3 : memref<512x128xf32, #tpu.memory_space<vmem>>[vector<16xi32>, vector<16xi32>], vector<16xf32>,
      %scan3A_232 = arith.constant 2 : i32
      %scan3A_233 = arith.addi %scan3A_115, %scan3A_232 : i32
      %mul3A_234 = arith.constant 16 : i32
      %mul3A_235 = arith.muli %scan3A_233, %mul3A_234 : i32
      %add3A_236 = vector.broadcast %mul3A_235 : i32 to vector<16xi32>
      %add3A_237 = arith.addi %iota3A, %add3A_236 : vector<16xi32>
      %jit3A_238 = arith.constant 128 : i32
      %div3A_239 = vector.broadcast %jit3A_238 : i32 to vector<16xi32>
      %div3A_240 = arith.divsi %add3A_237, %div3A_239 : vector<16xi32>
      %sign3A_241 = arith.constant 0 : i32
      %sign3A_242 = vector.broadcast %sign3A_241 : i32 to vector<16xi32>
      %sign3A_243 = arith.cmpi sgt, %add3A_237, %sign3A_242 : vector<16xi32>
      %sign3A_244 = arith.extui %sign3A_243 : vector<16xi1> to vector<16xi32>
      %sign3A_245 = arith.constant 0 : i32
      %sign3A_246 = vector.broadcast %sign3A_245 : i32 to vector<16xi32>
      %sign3A_247 = arith.cmpi slt, %add3A_237, %sign3A_246 : vector<16xi32>
      %sign3A_248 = arith.extui %sign3A_247 : vector<16xi1> to vector<16xi32>
      %sign3A_249 = arith.subi %sign3A_244, %sign3A_248 : vector<16xi32>
      %sign3A_250 = arith.constant 0 : i32
      %sign3A_251 = arith.cmpi sgt, %jit3A_238, %sign3A_250 : i32
      %sign3A_252 = arith.extui %sign3A_251 : i1 to i32
      %sign3A_253 = arith.constant 0 : i32
      %sign3A_254 = arith.cmpi slt, %jit3A_238, %sign3A_253 : i32
      %sign3A_255 = arith.extui %sign3A_254 : i1 to i32
      %sign3A_256 = arith.subi %sign3A_252, %sign3A_255 : i32
      %ne3A_257 = vector.broadcast %sign3A_256 : i32 to vector<16xi32>
      %ne3A_258 = arith.cmpi ne, %sign3A_249, %ne3A_257 : vector<16xi32>
      %rem3A_259 = vector.broadcast %jit3A_238 : i32 to vector<16xi32>
      %rem3A_260 = arith.remsi %add3A_237, %rem3A_259 : vector<16xi32>
      %ne3A_261 = arith.constant 0 : i32
      %ne3A_262 = vector.broadcast %ne3A_261 : i32 to vector<16xi32>
      %ne3A_263 = arith.cmpi ne, %rem3A_260, %ne3A_262 : vector<16xi32>
      %and3A_264 = arith.andi %ne3A_258, %ne3A_263 : vector<16xi1>
      %sub3A_265 = arith.constant 1 : i32
      %sub3A_266 = vector.broadcast %sub3A_265 : i32 to vector<16xi32>
      %sub3A_267 = arith.subi %div3A_240, %sub3A_266 : vector<16xi32>
      %select_n3A_268 = arith.select %and3A_264, %sub3A_267, %div3A_240 : vector<16xi1>, vector<16xi32>
      %jit3A_269 = arith.constant 128 : i32
      %eq3A_270 = arith.constant 0 : i32
      %eq3A_271 = arith.cmpi eq, %jit3A_269, %eq3A_270 : i32
      %jit3A_272 = arith.constant 1 : i32
      %select_n3A_273 = arith.select %eq3A_271, %jit3A_272, %jit3A_269 : i32
      %rem3A_274 = vector.broadcast %select_n3A_273 : i32 to vector<16xi32>
      %rem3A_275 = arith.remsi %add3A_237, %rem3A_274 : vector<16xi32>
      %ne3A_276 = arith.constant 0 : i32
      %ne3A_277 = vector.broadcast %ne3A_276 : i32 to vector<16xi32>
      %ne3A_278 = arith.cmpi ne, %rem3A_275, %ne3A_277 : vector<16xi32>
      %lt3A_279 = arith.constant 0 : i32
      %lt3A_280 = vector.broadcast %lt3A_279 : i32 to vector<16xi32>
      %lt3A_281 = arith.cmpi slt, %rem3A_275, %lt3A_280 : vector<16xi32>
      %lt3A_282 = arith.constant 0 : i32
      %lt3A_283 = arith.cmpi slt, %select_n3A_273, %lt3A_282 : i32
      %ne3A_284 = vector.broadcast %lt3A_283 : i1 to vector<16xi1>
      %ne3A_285 = vector.broadcast %ne3A_284 : vector<16xi1> to vector<16xi1>
      %ne3A_286 = arith.xori %lt3A_281, %ne3A_285 : vector<16xi1>
      %and3A_287 = arith.andi %ne3A_286, %ne3A_278 : vector<16xi1>
      %add3A_288 = vector.broadcast %select_n3A_273 : i32 to vector<16xi32>
      %add3A_289 = arith.addi %rem3A_275, %add3A_288 : vector<16xi32>
      %select_n3A_290 = arith.select %and3A_287, %add3A_289, %rem3A_275 : vector<16xi1>, vector<16xi32>
      tpu.vector_store_idx %arg4[%select_n3A_268, %select_n3A_290], %broadcast_in_dim3A_3 : memref<512x128xf32, #tpu.memory_space<vmem>>[vector<16xi32>, vector<16xi32>], vector<16xf32>,
      %scan3A_291 = arith.constant 3 : i32
      %scan3A_292 = arith.addi %scan3A_115, %scan3A_291 : i32
      %mul3A_293 = arith.constant 16 : i32
      %mul3A_294 = arith.muli %scan3A_292, %mul3A_293 : i32
      %add3A_295 = vector.broadcast %mul3A_294 : i32 to vector<16xi32>
      %add3A_296 = arith.addi %iota3A, %add3A_295 : vector<16xi32>
      %jit3A_297 = arith.constant 128 : i32
      %div3A_298 = vector.broadcast %jit3A_297 : i32 to vector<16xi32>
      %div3A_299 = arith.divsi %add3A_296, %div3A_298 : vector<16xi32>
      %sign3A_300 = arith.constant 0 : i32
      %sign3A_301 = vector.broadcast %sign3A_300 : i32 to vector<16xi32>
      %sign3A_302 = arith.cmpi sgt, %add3A_296, %sign3A_301 : vector<16xi32>
      %sign3A_303 = arith.extui %sign3A_302 : vector<16xi1> to vector<16xi32>
      %sign3A_304 = arith.constant 0 : i32
      %sign3A_305 = vector.broadcast %sign3A_304 : i32 to vector<16xi32>
      %sign3A_306 = arith.cmpi slt, %add3A_296, %sign3A_305 : vector<16xi32>
      %sign3A_307 = arith.extui %sign3A_306 : vector<16xi1> to vector<16xi32>
      %sign3A_308 = arith.subi %sign3A_303, %sign3A_307 : vector<16xi32>
      %sign3A_309 = arith.constant 0 : i32
      %sign3A_310 = arith.cmpi sgt, %jit3A_297, %sign3A_309 : i32
      %sign3A_311 = arith.extui %sign3A_310 : i1 to i32
      %sign3A_312 = arith.constant 0 : i32
      %sign3A_313 = arith.cmpi slt, %jit3A_297, %sign3A_312 : i32
      %sign3A_314 = arith.extui %sign3A_313 : i1 to i32
      %sign3A_315 = arith.subi %sign3A_311, %sign3A_314 : i32
      %ne3A_316 = vector.broadcast %sign3A_315 : i32 to vector<16xi32>
      %ne3A_317 = arith.cmpi ne, %sign3A_308, %ne3A_316 : vector<16xi32>
      %rem3A_318 = vector.broadcast %jit3A_297 : i32 to vector<16xi32>
      %rem3A_319 = arith.remsi %add3A_296, %rem3A_318 : vector<16xi32>
      %ne3A_320 = arith.constant 0 : i32
      %ne3A_321 = vector.broadcast %ne3A_320 : i32 to vector<16xi32>
      %ne3A_322 = arith.cmpi ne, %rem3A_319, %ne3A_321 : vector<16xi32>
      %and3A_323 = arith.andi %ne3A_317, %ne3A_322 : vector<16xi1>
      %sub3A_324 = arith.constant 1 : i32
      %sub3A_325 = vector.broadcast %sub3A_324 : i32 to vector<16xi32>
      %sub3A_326 = arith.subi %div3A_299, %sub3A_325 : vector<16xi32>
      %select_n3A_327 = arith.select %and3A_323, %sub3A_326, %div3A_299 : vector<16xi1>, vector<16xi32>
      %jit3A_328 = arith.constant 128 : i32
      %eq3A_329 = arith.constant 0 : i32
      %eq3A_330 = arith.cmpi eq, %jit3A_328, %eq3A_329 : i32
      %jit3A_331 = arith.constant 1 : i32
      %select_n3A_332 = arith.select %eq3A_330, %jit3A_331, %jit3A_328 : i32
      %rem3A_333 = vector.broadcast %select_n3A_332 : i32 to vector<16xi32>
      %rem3A_334 = arith.remsi %add3A_296, %rem3A_333 : vector<16xi32>
      %ne3A_335 = arith.constant 0 : i32
      %ne3A_336 = vector.broadcast %ne3A_335 : i32 to vector<16xi32>
      %ne3A_337 = arith.cmpi ne, %rem3A_334, %ne3A_336 : vector<16xi32>
      %lt3A_338 = arith.constant 0 : i32
      %lt3A_339 = vector.broadcast %lt3A_338 : i32 to vector<16xi32>
      %lt3A_340 = arith.cmpi slt, %rem3A_334, %lt3A_339 : vector<16xi32>
      %lt3A_341 = arith.constant 0 : i32
      %lt3A_342 = arith.cmpi slt, %select_n3A_332, %lt3A_341 : i32
      %ne3A_343 = vector.broadcast %lt3A_342 : i1 to vector<16xi1>
      %ne3A_344 = vector.broadcast %ne3A_343 : vector<16xi1> to vector<16xi1>
      %ne3A_345 = arith.xori %lt3A_340, %ne3A_344 : vector<16xi1>
      %and3A_346 = arith.andi %ne3A_345, %ne3A_337 : vector<16xi1>
      %add3A_347 = vector.broadcast %select_n3A_332 : i32 to vector<16xi32>
      %add3A_348 = arith.addi %rem3A_334, %add3A_347 : vector<16xi32>
      %select_n3A_349 = arith.select %and3A_346, %add3A_348, %rem3A_334 : vector<16xi1>, vector<16xi32>
      tpu.vector_store_idx %arg4[%select_n3A_327, %select_n3A_349], %broadcast_in_dim3A_3 : memref<512x128xf32, #tpu.memory_space<vmem>>[vector<16xi32>, vector<16xi32>], vector<16xf32>,
      %scan3A_350 = arith.constant 4 : i32
      %scan3A_351 = arith.addi %scan3A_115, %scan3A_350 : i32
      %mul3A_352 = arith.constant 16 : i32
      %mul3A_353 = arith.muli %scan3A_351, %mul3A_352 : i32
      %add3A_354 = vector.broadcast %mul3A_353 : i32 to vector<16xi32>
      %add3A_355 = arith.addi %iota3A, %add3A_354 : vector<16xi32>
      %jit3A_356 = arith.constant 128 : i32
      %div3A_357 = vector.broadcast %jit3A_356 : i32 to vector<16xi32>
      %div3A_358 = arith.divsi %add3A_355, %div3A_357 : vector<16xi32>
      %sign3A_359 = arith.constant 0 : i32
      %sign3A_360 = vector.broadcast %sign3A_359 : i32 to vector<16xi32>
      %sign3A_361 = arith.cmpi sgt, %add3A_355, %sign3A_360 : vector<16xi32>
      %sign3A_362 = arith.extui %sign3A_361 : vector<16xi1> to vector<16xi32>
      %sign3A_363 = arith.constant 0 : i32
      %sign3A_364 = vector.broadcast %sign3A_363 : i32 to vector<16xi32>
      %sign3A_365 = arith.cmpi slt, %add3A_355, %sign3A_364 : vector<16xi32>
      %sign3A_366 = arith.extui %sign3A_365 : vector<16xi1> to vector<16xi32>
      %sign3A_367 = arith.subi %sign3A_362, %sign3A_366 : vector<16xi32>
      %sign3A_368 = arith.constant 0 : i32
      %sign3A_369 = arith.cmpi sgt, %jit3A_356, %sign3A_368 : i32
      %sign3A_370 = arith.extui %sign3A_369 : i1 to i32
      %sign3A_371 = arith.constant 0 : i32
      %sign3A_372 = arith.cmpi slt, %jit3A_356, %sign3A_371 : i32
      %sign3A_373 = arith.extui %sign3A_372 : i1 to i32
      %sign3A_374 = arith.subi %sign3A_370, %sign3A_373 : i32
      %ne3A_375 = vector.broadcast %sign3A_374 : i32 to vector<16xi32>
      %ne3A_376 = arith.cmpi ne, %sign3A_367, %ne3A_375 : vector<16xi32>
      %rem3A_377 = vector.broadcast %jit3A_356 : i32 to vector<16xi32>
      %rem3A_378 = arith.remsi %add3A_355, %rem3A_377 : vector<16xi32>
      %ne3A_379 = arith.constant 0 : i32
      %ne3A_380 = vector.broadcast %ne3A_379 : i32 to vector<16xi32>
      %ne3A_381 = arith.cmpi ne, %rem3A_378, %ne3A_380 : vector<16xi32>
      %and3A_382 = arith.andi %ne3A_376, %ne3A_381 : vector<16xi1>
      %sub3A_383 = arith.constant 1 : i32
      %sub3A_384 = vector.broadcast %sub3A_383 : i32 to vector<16xi32>
      %sub3A_385 = arith.subi %div3A_358, %sub3A_384 : vector<16xi32>
      %select_n3A_386 = arith.select %and3A_382, %sub3A_385, %div3A_358 : vector<16xi1>, vector<16xi32>
      %jit3A_387 = arith.constant 128 : i32
      %eq3A_388 = arith.constant 0 : i32
      %eq3A_389 = arith.cmpi eq, %jit3A_387, %eq3A_388 : i32
      %jit3A_390 = arith.constant 1 : i32
      %select_n3A_391 = arith.select %eq3A_389, %jit3A_390, %jit3A_387 : i32
      %rem3A_392 = vector.broadcast %select_n3A_391 : i32 to vector<16xi32>
      %rem3A_393 = arith.remsi %add3A_355, %rem3A_392 : vector<16xi32>
      %ne3A_394 = arith.constant 0 : i32
      %ne3A_395 = vector.broadcast %ne3A_394 : i32 to vector<16xi32>
      %ne3A_396 = arith.cmpi ne, %rem3A_393, %ne3A_395 : vector<16xi32>
      %lt3A_397 = arith.constant 0 : i32
      %lt3A_398 = vector.broadcast %lt3A_397 : i32 to vector<16xi32>
      %lt3A_399 = arith.cmpi slt, %rem3A_393, %lt3A_398 : vector<16xi32>
      %lt3A_400 = arith.constant 0 : i32
      %lt3A_401 = arith.cmpi slt, %select_n3A_391, %lt3A_400 : i32
      %ne3A_402 = vector.broadcast %lt3A_401 : i1 to vector<16xi1>
      %ne3A_403 = vector.broadcast %ne3A_402 : vector<16xi1> to vector<16xi1>
      %ne3A_404 = arith.xori %lt3A_399, %ne3A_403 : vector<16xi1>
      %and3A_405 = arith.andi %ne3A_404, %ne3A_396 : vector<16xi1>
      %add3A_406 = vector.broadcast %select_n3A_391 : i32 to vector<16xi32>
      %add3A_407 = arith.addi %rem3A_393, %add3A_406 : vector<16xi32>
      %select_n3A_408 = arith.select %and3A_405, %add3A_407, %rem3A_393 : vector<16xi1>, vector<16xi32>
      tpu.vector_store_idx %arg4[%select_n3A_386, %select_n3A_408], %broadcast_in_dim3A_3 : memref<512x128xf32, #tpu.memory_space<vmem>>[vector<16xi32>, vector<16xi32>], vector<16xf32>,
      %scan3A_409 = arith.constant 5 : i32
      %scan3A_410 = arith.addi %scan3A_115, %scan3A_409 : i32
      %mul3A_411 = arith.constant 16 : i32
      %mul3A_412 = arith.muli %scan3A_410, %mul3A_411 : i32
      %add3A_413 = vector.broadcast %mul3A_412 : i32 to vector<16xi32>
      %add3A_414 = arith.addi %iota3A, %add3A_413 : vector<16xi32>
      %jit3A_415 = arith.constant 128 : i32
      %div3A_416 = vector.broadcast %jit3A_415 : i32 to vector<16xi32>
      %div3A_417 = arith.divsi %add3A_414, %div3A_416 : vector<16xi32>
      %sign3A_418 = arith.constant 0 : i32
      %sign3A_419 = vector.broadcast %sign3A_418 : i32 to vector<16xi32>
      %sign3A_420 = arith.cmpi sgt, %add3A_414, %sign3A_419 : vector<16xi32>
      %sign3A_421 = arith.extui %sign3A_420 : vector<16xi1> to vector<16xi32>
      %sign3A_422 = arith.constant 0 : i32
      %sign3A_423 = vector.broadcast %sign3A_422 : i32 to vector<16xi32>
      %sign3A_424 = arith.cmpi slt, %add3A_414, %sign3A_423 : vector<16xi32>
      %sign3A_425 = arith.extui %sign3A_424 : vector<16xi1> to vector<16xi32>
      %sign3A_426 = arith.subi %sign3A_421, %sign3A_425 : vector<16xi32>
      %sign3A_427 = arith.constant 0 : i32
      %sign3A_428 = arith.cmpi sgt, %jit3A_415, %sign3A_427 : i32
      %sign3A_429 = arith.extui %sign3A_428 : i1 to i32
      %sign3A_430 = arith.constant 0 : i32
      %sign3A_431 = arith.cmpi slt, %jit3A_415, %sign3A_430 : i32
      %sign3A_432 = arith.extui %sign3A_431 : i1 to i32
      %sign3A_433 = arith.subi %sign3A_429, %sign3A_432 : i32
      %ne3A_434 = vector.broadcast %sign3A_433 : i32 to vector<16xi32>
      %ne3A_435 = arith.cmpi ne, %sign3A_426, %ne3A_434 : vector<16xi32>
      %rem3A_436 = vector.broadcast %jit3A_415 : i32 to vector<16xi32>
      %rem3A_437 = arith.remsi %add3A_414, %rem3A_436 : vector<16xi32>
      %ne3A_438 = arith.constant 0 : i32
      %ne3A_439 = vector.broadcast %ne3A_438 : i32 to vector<16xi32>
      %ne3A_440 = arith.cmpi ne, %rem3A_437, %ne3A_439 : vector<16xi32>
      %and3A_441 = arith.andi %ne3A_435, %ne3A_440 : vector<16xi1>
      %sub3A_442 = arith.constant 1 : i32
      %sub3A_443 = vector.broadcast %sub3A_442 : i32 to vector<16xi32>
      %sub3A_444 = arith.subi %div3A_417, %sub3A_443 : vector<16xi32>
      %select_n3A_445 = arith.select %and3A_441, %sub3A_444, %div3A_417 : vector<16xi1>, vector<16xi32>
      %jit3A_446 = arith.constant 128 : i32
      %eq3A_447 = arith.constant 0 : i32
      %eq3A_448 = arith.cmpi eq, %jit3A_446, %eq3A_447 : i32
      %jit3A_449 = arith.constant 1 : i32
      %select_n3A_450 = arith.select %eq3A_448, %jit3A_449, %jit3A_446 : i32
      %rem3A_451 = vector.broadcast %select_n3A_450 : i32 to vector<16xi32>
      %rem3A_452 = arith.remsi %add3A_414, %rem3A_451 : vector<16xi32>
      %ne3A_453 = arith.constant 0 : i32
      %ne3A_454 = vector.broadcast %ne3A_453 : i32 to vector<16xi32>
      %ne3A_455 = arith.cmpi ne, %rem3A_452, %ne3A_454 : vector<16xi32>
      %lt3A_456 = arith.constant 0 : i32
      %lt3A_457 = vector.broadcast %lt3A_456 : i32 to vector<16xi32>
      %lt3A_458 = arith.cmpi slt, %rem3A_452, %lt3A_457 : vector<16xi32>
      %lt3A_459 = arith.constant 0 : i32
      %lt3A_460 = arith.cmpi slt, %select_n3A_450, %lt3A_459 : i32
      %ne3A_461 = vector.broadcast %lt3A_460 : i1 to vector<16xi1>
      %ne3A_462 = vector.broadcast %ne3A_461 : vector<16xi1> to vector<16xi1>
      %ne3A_463 = arith.xori %lt3A_458, %ne3A_462 : vector<16xi1>
      %and3A_464 = arith.andi %ne3A_463, %ne3A_455 : vector<16xi1>
      %add3A_465 = vector.broadcast %select_n3A_450 : i32 to vector<16xi32>
      %add3A_466 = arith.addi %rem3A_452, %add3A_465 : vector<16xi32>
      %select_n3A_467 = arith.select %and3A_464, %add3A_466, %rem3A_452 : vector<16xi1>, vector<16xi32>
      tpu.vector_store_idx %arg4[%select_n3A_445, %select_n3A_467], %broadcast_in_dim3A_3 : memref<512x128xf32, #tpu.memory_space<vmem>>[vector<16xi32>, vector<16xi32>], vector<16xf32>,
      %scan3A_468 = arith.constant 6 : i32
      %scan3A_469 = arith.addi %scan3A_115, %scan3A_468 : i32
      %mul3A_470 = arith.constant 16 : i32
      %mul3A_471 = arith.muli %scan3A_469, %mul3A_470 : i32
      %add3A_472 = vector.broadcast %mul3A_471 : i32 to vector<16xi32>
      %add3A_473 = arith.addi %iota3A, %add3A_472 : vector<16xi32>
      %jit3A_474 = arith.constant 128 : i32
      %div3A_475 = vector.broadcast %jit3A_474 : i32 to vector<16xi32>
      %div3A_476 = arith.divsi %add3A_473, %div3A_475 : vector<16xi32>
      %sign3A_477 = arith.constant 0 : i32
      %sign3A_478 = vector.broadcast %sign3A_477 : i32 to vector<16xi32>
      %sign3A_479 = arith.cmpi sgt, %add3A_473, %sign3A_478 : vector<16xi32>
      %sign3A_480 = arith.extui %sign3A_479 : vector<16xi1> to vector<16xi32>
      %sign3A_481 = arith.constant 0 : i32
      %sign3A_482 = vector.broadcast %sign3A_481 : i32 to vector<16xi32>
      %sign3A_483 = arith.cmpi slt, %add3A_473, %sign3A_482 : vector<16xi32>
      %sign3A_484 = arith.extui %sign3A_483 : vector<16xi1> to vector<16xi32>
      %sign3A_485 = arith.subi %sign3A_480, %sign3A_484 : vector<16xi32>
      %sign3A_486 = arith.constant 0 : i32
      %sign3A_487 = arith.cmpi sgt, %jit3A_474, %sign3A_486 : i32
      %sign3A_488 = arith.extui %sign3A_487 : i1 to i32
      %sign3A_489 = arith.constant 0 : i32
      %sign3A_490 = arith.cmpi slt, %jit3A_474, %sign3A_489 : i32
      %sign3A_491 = arith.extui %sign3A_490 : i1 to i32
      %sign3A_492 = arith.subi %sign3A_488, %sign3A_491 : i32
      %ne3A_493 = vector.broadcast %sign3A_492 : i32 to vector<16xi32>
      %ne3A_494 = arith.cmpi ne, %sign3A_485, %ne3A_493 : vector<16xi32>
      %rem3A_495 = vector.broadcast %jit3A_474 : i32 to vector<16xi32>
      %rem3A_496 = arith.remsi %add3A_473, %rem3A_495 : vector<16xi32>
      %ne3A_497 = arith.constant 0 : i32
      %ne3A_498 = vector.broadcast %ne3A_497 : i32 to vector<16xi32>
      %ne3A_499 = arith.cmpi ne, %rem3A_496, %ne3A_498 : vector<16xi32>
      %and3A_500 = arith.andi %ne3A_494, %ne3A_499 : vector<16xi1>
      %sub3A_501 = arith.constant 1 : i32
      %sub3A_502 = vector.broadcast %sub3A_501 : i32 to vector<16xi32>
      %sub3A_503 = arith.subi %div3A_476, %sub3A_502 : vector<16xi32>
      %select_n3A_504 = arith.select %and3A_500, %sub3A_503, %div3A_476 : vector<16xi1>, vector<16xi32>
      %jit3A_505 = arith.constant 128 : i32
      %eq3A_506 = arith.constant 0 : i32
      %eq3A_507 = arith.cmpi eq, %jit3A_505, %eq3A_506 : i32
      %jit3A_508 = arith.constant 1 : i32
      %select_n3A_509 = arith.select %eq3A_507, %jit3A_508, %jit3A_505 : i32
      %rem3A_510 = vector.broadcast %select_n3A_509 : i32 to vector<16xi32>
      %rem3A_511 = arith.remsi %add3A_473, %rem3A_510 : vector<16xi32>
      %ne3A_512 = arith.constant 0 : i32
      %ne3A_513 = vector.broadcast %ne3A_512 : i32 to vector<16xi32>
      %ne3A_514 = arith.cmpi ne, %rem3A_511, %ne3A_513 : vector<16xi32>
      %lt3A_515 = arith.constant 0 : i32
      %lt3A_516 = vector.broadcast %lt3A_515 : i32 to vector<16xi32>
      %lt3A_517 = arith.cmpi slt, %rem3A_511, %lt3A_516 : vector<16xi32>
      %lt3A_518 = arith.constant 0 : i32
      %lt3A_519 = arith.cmpi slt, %select_n3A_509, %lt3A_518 : i32
      %ne3A_520 = vector.broadcast %lt3A_519 : i1 to vector<16xi1>
      %ne3A_521 = vector.broadcast %ne3A_520 : vector<16xi1> to vector<16xi1>
      %ne3A_522 = arith.xori %lt3A_517, %ne3A_521 : vector<16xi1>
      %and3A_523 = arith.andi %ne3A_522, %ne3A_514 : vector<16xi1>
      %add3A_524 = vector.broadcast %select_n3A_509 : i32 to vector<16xi32>
      %add3A_525 = arith.addi %rem3A_511, %add3A_524 : vector<16xi32>
      %select_n3A_526 = arith.select %and3A_523, %add3A_525, %rem3A_511 : vector<16xi1>, vector<16xi32>
      tpu.vector_store_idx %arg4[%select_n3A_504, %select_n3A_526], %broadcast_in_dim3A_3 : memref<512x128xf32, #tpu.memory_space<vmem>>[vector<16xi32>, vector<16xi32>], vector<16xf32>,
      %scan3A_527 = arith.constant 7 : i32
      %scan3A_528 = arith.addi %scan3A_115, %scan3A_527 : i32
      %mul3A_529 = arith.constant 16 : i32
      %mul3A_530 = arith.muli %scan3A_528, %mul3A_529 : i32
      %add3A_531 = vector.broadcast %mul3A_530 : i32 to vector<16xi32>
      %add3A_532 = arith.addi %iota3A, %add3A_531 : vector<16xi32>
      %jit3A_533 = arith.constant 128 : i32
      %div3A_534 = vector.broadcast %jit3A_533 : i32 to vector<16xi32>
      %div3A_535 = arith.divsi %add3A_532, %div3A_534 : vector<16xi32>
      %sign3A_536 = arith.constant 0 : i32
      %sign3A_537 = vector.broadcast %sign3A_536 : i32 to vector<16xi32>
      %sign3A_538 = arith.cmpi sgt, %add3A_532, %sign3A_537 : vector<16xi32>
      %sign3A_539 = arith.extui %sign3A_538 : vector<16xi1> to vector<16xi32>
      %sign3A_540 = arith.constant 0 : i32
      %sign3A_541 = vector.broadcast %sign3A_540 : i32 to vector<16xi32>
      %sign3A_542 = arith.cmpi slt, %add3A_532, %sign3A_541 : vector<16xi32>
      %sign3A_543 = arith.extui %sign3A_542 : vector<16xi1> to vector<16xi32>
      %sign3A_544 = arith.subi %sign3A_539, %sign3A_543 : vector<16xi32>
      %sign3A_545 = arith.constant 0 : i32
      %sign3A_546 = arith.cmpi sgt, %jit3A_533, %sign3A_545 : i32
      %sign3A_547 = arith.extui %sign3A_546 : i1 to i32
      %sign3A_548 = arith.constant 0 : i32
      %sign3A_549 = arith.cmpi slt, %jit3A_533, %sign3A_548 : i32
      %sign3A_550 = arith.extui %sign3A_549 : i1 to i32
      %sign3A_551 = arith.subi %sign3A_547, %sign3A_550 : i32
      %ne3A_552 = vector.broadcast %sign3A_551 : i32 to vector<16xi32>
      %ne3A_553 = arith.cmpi ne, %sign3A_544, %ne3A_552 : vector<16xi32>
      %rem3A_554 = vector.broadcast %jit3A_533 : i32 to vector<16xi32>
      %rem3A_555 = arith.remsi %add3A_532, %rem3A_554 : vector<16xi32>
      %ne3A_556 = arith.constant 0 : i32
      %ne3A_557 = vector.broadcast %ne3A_556 : i32 to vector<16xi32>
      %ne3A_558 = arith.cmpi ne, %rem3A_555, %ne3A_557 : vector<16xi32>
      %and3A_559 = arith.andi %ne3A_553, %ne3A_558 : vector<16xi1>
      %sub3A_560 = arith.constant 1 : i32
      %sub3A_561 = vector.broadcast %sub3A_560 : i32 to vector<16xi32>
      %sub3A_562 = arith.subi %div3A_535, %sub3A_561 : vector<16xi32>
      %select_n3A_563 = arith.select %and3A_559, %sub3A_562, %div3A_535 : vector<16xi1>, vector<16xi32>
      %jit3A_564 = arith.constant 128 : i32
      %eq3A_565 = arith.constant 0 : i32
      %eq3A_566 = arith.cmpi eq, %jit3A_564, %eq3A_565 : i32
      %jit3A_567 = arith.constant 1 : i32
      %select_n3A_568 = arith.select %eq3A_566, %jit3A_567, %jit3A_564 : i32
      %rem3A_569 = vector.broadcast %select_n3A_568 : i32 to vector<16xi32>
      %rem3A_570 = arith.remsi %add3A_532, %rem3A_569 : vector<16xi32>
      %ne3A_571 = arith.constant 0 : i32
      %ne3A_572 = vector.broadcast %ne3A_571 : i32 to vector<16xi32>
      %ne3A_573 = arith.cmpi ne, %rem3A_570, %ne3A_572 : vector<16xi32>
      %lt3A_574 = arith.constant 0 : i32
      %lt3A_575 = vector.broadcast %lt3A_574 : i32 to vector<16xi32>
      %lt3A_576 = arith.cmpi slt, %rem3A_570, %lt3A_575 : vector<16xi32>
      %lt3A_577 = arith.constant 0 : i32
      %lt3A_578 = arith.cmpi slt, %select_n3A_568, %lt3A_577 : i32
      %ne3A_579 = vector.broadcast %lt3A_578 : i1 to vector<16xi1>
      %ne3A_580 = vector.broadcast %ne3A_579 : vector<16xi1> to vector<16xi1>
      %ne3A_581 = arith.xori %lt3A_576, %ne3A_580 : vector<16xi1>
      %and3A_582 = arith.andi %ne3A_581, %ne3A_573 : vector<16xi1>
      %add3A_583 = vector.broadcast %select_n3A_568 : i32 to vector<16xi32>
      %add3A_584 = arith.addi %rem3A_570, %add3A_583 : vector<16xi32>
      %select_n3A_585 = arith.select %and3A_582, %add3A_584, %rem3A_570 : vector<16xi1>, vector<16xi32>
      tpu.vector_store_idx %arg4[%select_n3A_563, %select_n3A_585], %broadcast_in_dim3A_3 : memref<512x128xf32, #tpu.memory_space<vmem>>[vector<16xi32>, vector<16xi32>], vector<16xf32>,
    }
    %scan3A_11 = arith.constant 4096 : i32
    %scan3A_12 = arith.constant 0 : i32
    %scan3A_13 = arith.constant 3904 : i32
    %scan3A_14 = arith.addi %scan3A_12, %scan3A_13 : i32
    %scan3A_15 = arith.constant 8 : i32
    scf.for %scan3A_115 = %scan3A_12 to %scan3A_14 step %scan3A_15  : i32 {
      %mul3A_116 = arith.constant 16 : i32
      %mul3A_117 = arith.muli %scan3A_115, %mul3A_116 : i32
      %add3A_118 = vector.broadcast %mul3A_117 : i32 to vector<16xi32>
      %add3A_119 = arith.addi %iota3A, %add3A_118 : vector<16xi32>
      %jit3A_120 = arith.constant 128 : i32
      %div3A_121 = vector.broadcast %jit3A_120 : i32 to vector<16xi32>
      %div3A_122 = arith.divsi %add3A_119, %div3A_121 : vector<16xi32>
      %sign3A_123 = arith.constant 0 : i32
      %sign3A_124 = vector.broadcast %sign3A_123 : i32 to vector<16xi32>
      %sign3A_125 = arith.cmpi sgt, %add3A_119, %sign3A_124 : vector<16xi32>
      %sign3A_126 = arith.extui %sign3A_125 : vector<16xi1> to vector<16xi32>
      %sign3A_127 = arith.constant 0 : i32
      %sign3A_128 = vector.broadcast %sign3A_127 : i32 to vector<16xi32>
      %sign3A_129 = arith.cmpi slt, %add3A_119, %sign3A_128 : vector<16xi32>
      %sign3A_130 = arith.extui %sign3A_129 : vector<16xi1> to vector<16xi32>
      %sign3A_131 = arith.subi %sign3A_126, %sign3A_130 : vector<16xi32>
      %sign3A_132 = arith.constant 0 : i32
      %sign3A_133 = arith.cmpi sgt, %jit3A_120, %sign3A_132 : i32
      %sign3A_134 = arith.extui %sign3A_133 : i1 to i32
      %sign3A_135 = arith.constant 0 : i32
      %sign3A_136 = arith.cmpi slt, %jit3A_120, %sign3A_135 : i32
      %sign3A_137 = arith.extui %sign3A_136 : i1 to i32
      %sign3A_138 = arith.subi %sign3A_134, %sign3A_137 : i32
      %ne3A_139 = vector.broadcast %sign3A_138 : i32 to vector<16xi32>
      %ne3A_140 = arith.cmpi ne, %sign3A_131, %ne3A_139 : vector<16xi32>
      %rem3A_141 = vector.broadcast %jit3A_120 : i32 to vector<16xi32>
      %rem3A_142 = arith.remsi %add3A_119, %rem3A_141 : vector<16xi32>
      %ne3A_143 = arith.constant 0 : i32
      %ne3A_144 = vector.broadcast %ne3A_143 : i32 to vector<16xi32>
      %ne3A_145 = arith.cmpi ne, %rem3A_142, %ne3A_144 : vector<16xi32>
      %and3A_146 = arith.andi %ne3A_140, %ne3A_145 : vector<16xi1>
      %sub3A_147 = arith.constant 1 : i32
      %sub3A_148 = vector.broadcast %sub3A_147 : i32 to vector<16xi32>
      %sub3A_149 = arith.subi %div3A_122, %sub3A_148 : vector<16xi32>
      %select_n3A_150 = arith.select %and3A_146, %sub3A_149, %div3A_122 : vector<16xi1>, vector<16xi32>
      %jit3A_151 = arith.constant 128 : i32
      %eq3A_152 = arith.constant 0 : i32
      %eq3A_153 = arith.cmpi eq, %jit3A_151, %eq3A_152 : i32
      %jit3A_154 = arith.constant 1 : i32
      %select_n3A_155 = arith.select %eq3A_153, %jit3A_154, %jit3A_151 : i32
      %rem3A_156 = vector.broadcast %select_n3A_155 : i32 to vector<16xi32>
      %rem3A_157 = arith.remsi %add3A_119, %rem3A_156 : vector<16xi32>
      %ne3A_158 = arith.constant 0 : i32
      %ne3A_159 = vector.broadcast %ne3A_158 : i32 to vector<16xi32>
      %ne3A_160 = arith.cmpi ne, %rem3A_157, %ne3A_159 : vector<16xi32>
      %lt3A_161 = arith.constant 0 : i32
      %lt3A_162 = vector.broadcast %lt3A_161 : i32 to vector<16xi32>
      %lt3A_163 = arith.cmpi slt, %rem3A_157, %lt3A_162 : vector<16xi32>
      %lt3A_164 = arith.constant 0 : i32
      %lt3A_165 = arith.cmpi slt, %select_n3A_155, %lt3A_164 : i32
      %ne3A_166 = vector.broadcast %lt3A_165 : i1 to vector<16xi1>
      %ne3A_167 = vector.broadcast %ne3A_166 : vector<16xi1> to vector<16xi1>
      %ne3A_168 = arith.xori %lt3A_163, %ne3A_167 : vector<16xi1>
      %and3A_169 = arith.andi %ne3A_168, %ne3A_160 : vector<16xi1>
      %add3A_170 = vector.broadcast %select_n3A_155 : i32 to vector<16xi32>
      %add3A_171 = arith.addi %rem3A_157, %add3A_170 : vector<16xi32>
      %select_n3A_172 = arith.select %and3A_169, %add3A_171, %rem3A_157 : vector<16xi1>, vector<16xi32>
      tpu.vector_store_idx %arg5[%select_n3A_150, %select_n3A_172], %broadcast_in_dim3A_3 : memref<488x128xf32, #tpu.memory_space<vmem>>[vector<16xi32>, vector<16xi32>], vector<16xf32>,
      %scan3A_173 = arith.constant 1 : i32
      %scan3A_174 = arith.addi %scan3A_115, %scan3A_173 : i32
      %mul3A_175 = arith.constant 16 : i32
      %mul3A_176 = arith.muli %scan3A_174, %mul3A_175 : i32
      %add3A_177 = vector.broadcast %mul3A_176 : i32 to vector<16xi32>
      %add3A_178 = arith.addi %iota3A, %add3A_177 : vector<16xi32>
      %jit3A_179 = arith.constant 128 : i32
      %div3A_180 = vector.broadcast %jit3A_179 : i32 to vector<16xi32>
      %div3A_181 = arith.divsi %add3A_178, %div3A_180 : vector<16xi32>
      %sign3A_182 = arith.constant 0 : i32
      %sign3A_183 = vector.broadcast %sign3A_182 : i32 to vector<16xi32>
      %sign3A_184 = arith.cmpi sgt, %add3A_178, %sign3A_183 : vector<16xi32>
      %sign3A_185 = arith.extui %sign3A_184 : vector<16xi1> to vector<16xi32>
      %sign3A_186 = arith.constant 0 : i32
      %sign3A_187 = vector.broadcast %sign3A_186 : i32 to vector<16xi32>
      %sign3A_188 = arith.cmpi slt, %add3A_178, %sign3A_187 : vector<16xi32>
      %sign3A_189 = arith.extui %sign3A_188 : vector<16xi1> to vector<16xi32>
      %sign3A_190 = arith.subi %sign3A_185, %sign3A_189 : vector<16xi32>
      %sign3A_191 = arith.constant 0 : i32
      %sign3A_192 = arith.cmpi sgt, %jit3A_179, %sign3A_191 : i32
      %sign3A_193 = arith.extui %sign3A_192 : i1 to i32
      %sign3A_194 = arith.constant 0 : i32
      %sign3A_195 = arith.cmpi slt, %jit3A_179, %sign3A_194 : i32
      %sign3A_196 = arith.extui %sign3A_195 : i1 to i32
      %sign3A_197 = arith.subi %sign3A_193, %sign3A_196 : i32
      %ne3A_198 = vector.broadcast %sign3A_197 : i32 to vector<16xi32>
      %ne3A_199 = arith.cmpi ne, %sign3A_190, %ne3A_198 : vector<16xi32>
      %rem3A_200 = vector.broadcast %jit3A_179 : i32 to vector<16xi32>
      %rem3A_201 = arith.remsi %add3A_178, %rem3A_200 : vector<16xi32>
      %ne3A_202 = arith.constant 0 : i32
      %ne3A_203 = vector.broadcast %ne3A_202 : i32 to vector<16xi32>
      %ne3A_204 = arith.cmpi ne, %rem3A_201, %ne3A_203 : vector<16xi32>
      %and3A_205 = arith.andi %ne3A_199, %ne3A_204 : vector<16xi1>
      %sub3A_206 = arith.constant 1 : i32
      %sub3A_207 = vector.broadcast %sub3A_206 : i32 to vector<16xi32>
      %sub3A_208 = arith.subi %div3A_181, %sub3A_207 : vector<16xi32>
      %select_n3A_209 = arith.select %and3A_205, %sub3A_208, %div3A_181 : vector<16xi1>, vector<16xi32>
      %jit3A_210 = arith.constant 128 : i32
      %eq3A_211 = arith.constant 0 : i32
      %eq3A_212 = arith.cmpi eq, %jit3A_210, %eq3A_211 : i32
      %jit3A_213 = arith.constant 1 : i32
      %select_n3A_214 = arith.select %eq3A_212, %jit3A_213, %jit3A_210 : i32
      %rem3A_215 = vector.broadcast %select_n3A_214 : i32 to vector<16xi32>
      %rem3A_216 = arith.remsi %add3A_178, %rem3A_215 : vector<16xi32>
      %ne3A_217 = arith.constant 0 : i32
      %ne3A_218 = vector.broadcast %ne3A_217 : i32 to vector<16xi32>
      %ne3A_219 = arith.cmpi ne, %rem3A_216, %ne3A_218 : vector<16xi32>
      %lt3A_220 = arith.constant 0 : i32
      %lt3A_221 = vector.broadcast %lt3A_220 : i32 to vector<16xi32>
      %lt3A_222 = arith.cmpi slt, %rem3A_216, %lt3A_221 : vector<16xi32>
      %lt3A_223 = arith.constant 0 : i32
      %lt3A_224 = arith.cmpi slt, %select_n3A_214, %lt3A_223 : i32
      %ne3A_225 = vector.broadcast %lt3A_224 : i1 to vector<16xi1>
      %ne3A_226 = vector.broadcast %ne3A_225 : vector<16xi1> to vector<16xi1>
      %ne3A_227 = arith.xori %lt3A_222, %ne3A_226 : vector<16xi1>
      %and3A_228 = arith.andi %ne3A_227, %ne3A_219 : vector<16xi1>
      %add3A_229 = vector.broadcast %select_n3A_214 : i32 to vector<16xi32>
      %add3A_230 = arith.addi %rem3A_216, %add3A_229 : vector<16xi32>
      %select_n3A_231 = arith.select %and3A_228, %add3A_230, %rem3A_216 : vector<16xi1>, vector<16xi32>
      tpu.vector_store_idx %arg5[%select_n3A_209, %select_n3A_231], %broadcast_in_dim3A_3 : memref<488x128xf32, #tpu.memory_space<vmem>>[vector<16xi32>, vector<16xi32>], vector<16xf32>,
      %scan3A_232 = arith.constant 2 : i32
      %scan3A_233 = arith.addi %scan3A_115, %scan3A_232 : i32
      %mul3A_234 = arith.constant 16 : i32
      %mul3A_235 = arith.muli %scan3A_233, %mul3A_234 : i32
      %add3A_236 = vector.broadcast %mul3A_235 : i32 to vector<16xi32>
      %add3A_237 = arith.addi %iota3A, %add3A_236 : vector<16xi32>
      %jit3A_238 = arith.constant 128 : i32
      %div3A_239 = vector.broadcast %jit3A_238 : i32 to vector<16xi32>
      %div3A_240 = arith.divsi %add3A_237, %div3A_239 : vector<16xi32>
      %sign3A_241 = arith.constant 0 : i32
      %sign3A_242 = vector.broadcast %sign3A_241 : i32 to vector<16xi32>
      %sign3A_243 = arith.cmpi sgt, %add3A_237, %sign3A_242 : vector<16xi32>
      %sign3A_244 = arith.extui %sign3A_243 : vector<16xi1> to vector<16xi32>
      %sign3A_245 = arith.constant 0 : i32
      %sign3A_246 = vector.broadcast %sign3A_245 : i32 to vector<16xi32>
      %sign3A_247 = arith.cmpi slt, %add3A_237, %sign3A_246 : vector<16xi32>
      %sign3A_248 = arith.extui %sign3A_247 : vector<16xi1> to vector<16xi32>
      %sign3A_249 = arith.subi %sign3A_244, %sign3A_248 : vector<16xi32>
      %sign3A_250 = arith.constant 0 : i32
      %sign3A_251 = arith.cmpi sgt, %jit3A_238, %sign3A_250 : i32
      %sign3A_252 = arith.extui %sign3A_251 : i1 to i32
      %sign3A_253 = arith.constant 0 : i32
      %sign3A_254 = arith.cmpi slt, %jit3A_238, %sign3A_253 : i32
      %sign3A_255 = arith.extui %sign3A_254 : i1 to i32
      %sign3A_256 = arith.subi %sign3A_252, %sign3A_255 : i32
      %ne3A_257 = vector.broadcast %sign3A_256 : i32 to vector<16xi32>
      %ne3A_258 = arith.cmpi ne, %sign3A_249, %ne3A_257 : vector<16xi32>
      %rem3A_259 = vector.broadcast %jit3A_238 : i32 to vector<16xi32>
      %rem3A_260 = arith.remsi %add3A_237, %rem3A_259 : vector<16xi32>
      %ne3A_261 = arith.constant 0 : i32
      %ne3A_262 = vector.broadcast %ne3A_261 : i32 to vector<16xi32>
      %ne3A_263 = arith.cmpi ne, %rem3A_260, %ne3A_262 : vector<16xi32>
      %and3A_264 = arith.andi %ne3A_258, %ne3A_263 : vector<16xi1>
      %sub3A_265 = arith.constant 1 : i32
      %sub3A_266 = vector.broadcast %sub3A_265 : i32 to vector<16xi32>
      %sub3A_267 = arith.subi %div3A_240, %sub3A_266 : vector<16xi32>
      %select_n3A_268 = arith.select %and3A_264, %sub3A_267, %div3A_240 : vector<16xi1>, vector<16xi32>
      %jit3A_269 = arith.constant 128 : i32
      %eq3A_270 = arith.constant 0 : i32
      %eq3A_271 = arith.cmpi eq, %jit3A_269, %eq3A_270 : i32
      %jit3A_272 = arith.constant 1 : i32
      %select_n3A_273 = arith.select %eq3A_271, %jit3A_272, %jit3A_269 : i32
      %rem3A_274 = vector.broadcast %select_n3A_273 : i32 to vector<16xi32>
      %rem3A_275 = arith.remsi %add3A_237, %rem3A_274 : vector<16xi32>
      %ne3A_276 = arith.constant 0 : i32
      %ne3A_277 = vector.broadcast %ne3A_276 : i32 to vector<16xi32>
      %ne3A_278 = arith.cmpi ne, %rem3A_275, %ne3A_277 : vector<16xi32>
      %lt3A_279 = arith.constant 0 : i32
      %lt3A_280 = vector.broadcast %lt3A_279 : i32 to vector<16xi32>
      %lt3A_281 = arith.cmpi slt, %rem3A_275, %lt3A_280 : vector<16xi32>
      %lt3A_282 = arith.constant 0 : i32
      %lt3A_283 = arith.cmpi slt, %select_n3A_273, %lt3A_282 : i32
      %ne3A_284 = vector.broadcast %lt3A_283 : i1 to vector<16xi1>
      %ne3A_285 = vector.broadcast %ne3A_284 : vector<16xi1> to vector<16xi1>
      %ne3A_286 = arith.xori %lt3A_281, %ne3A_285 : vector<16xi1>
      %and3A_287 = arith.andi %ne3A_286, %ne3A_278 : vector<16xi1>
      %add3A_288 = vector.broadcast %select_n3A_273 : i32 to vector<16xi32>
      %add3A_289 = arith.addi %rem3A_275, %add3A_288 : vector<16xi32>
      %select_n3A_290 = arith.select %and3A_287, %add3A_289, %rem3A_275 : vector<16xi1>, vector<16xi32>
      tpu.vector_store_idx %arg5[%select_n3A_268, %select_n3A_290], %broadcast_in_dim3A_3 : memref<488x128xf32, #tpu.memory_space<vmem>>[vector<16xi32>, vector<16xi32>], vector<16xf32>,
      %scan3A_291 = arith.constant 3 : i32
      %scan3A_292 = arith.addi %scan3A_115, %scan3A_291 : i32
      %mul3A_293 = arith.constant 16 : i32
      %mul3A_294 = arith.muli %scan3A_292, %mul3A_293 : i32
      %add3A_295 = vector.broadcast %mul3A_294 : i32 to vector<16xi32>
      %add3A_296 = arith.addi %iota3A, %add3A_295 : vector<16xi32>
      %jit3A_297 = arith.constant 128 : i32
      %div3A_298 = vector.broadcast %jit3A_297 : i32 to vector<16xi32>
      %div3A_299 = arith.divsi %add3A_296, %div3A_298 : vector<16xi32>
      %sign3A_300 = arith.constant 0 : i32
      %sign3A_301 = vector.broadcast %sign3A_300 : i32 to vector<16xi32>
      %sign3A_302 = arith.cmpi sgt, %add3A_296, %sign3A_301 : vector<16xi32>
      %sign3A_303 = arith.extui %sign3A_302 : vector<16xi1> to vector<16xi32>
      %sign3A_304 = arith.constant 0 : i32
      %sign3A_305 = vector.broadcast %sign3A_304 : i32 to vector<16xi32>
      %sign3A_306 = arith.cmpi slt, %add3A_296, %sign3A_305 : vector<16xi32>
      %sign3A_307 = arith.extui %sign3A_306 : vector<16xi1> to vector<16xi32>
      %sign3A_308 = arith.subi %sign3A_303, %sign3A_307 : vector<16xi32>
      %sign3A_309 = arith.constant 0 : i32
      %sign3A_310 = arith.cmpi sgt, %jit3A_297, %sign3A_309 : i32
      %sign3A_311 = arith.extui %sign3A_310 : i1 to i32
      %sign3A_312 = arith.constant 0 : i32
      %sign3A_313 = arith.cmpi slt, %jit3A_297, %sign3A_312 : i32
      %sign3A_314 = arith.extui %sign3A_313 : i1 to i32
      %sign3A_315 = arith.subi %sign3A_311, %sign3A_314 : i32
      %ne3A_316 = vector.broadcast %sign3A_315 : i32 to vector<16xi32>
      %ne3A_317 = arith.cmpi ne, %sign3A_308, %ne3A_316 : vector<16xi32>
      %rem3A_318 = vector.broadcast %jit3A_297 : i32 to vector<16xi32>
      %rem3A_319 = arith.remsi %add3A_296, %rem3A_318 : vector<16xi32>
      %ne3A_320 = arith.constant 0 : i32
      %ne3A_321 = vector.broadcast %ne3A_320 : i32 to vector<16xi32>
      %ne3A_322 = arith.cmpi ne, %rem3A_319, %ne3A_321 : vector<16xi32>
      %and3A_323 = arith.andi %ne3A_317, %ne3A_322 : vector<16xi1>
      %sub3A_324 = arith.constant 1 : i32
      %sub3A_325 = vector.broadcast %sub3A_324 : i32 to vector<16xi32>
      %sub3A_326 = arith.subi %div3A_299, %sub3A_325 : vector<16xi32>
      %select_n3A_327 = arith.select %and3A_323, %sub3A_326, %div3A_299 : vector<16xi1>, vector<16xi32>
      %jit3A_328 = arith.constant 128 : i32
      %eq3A_329 = arith.constant 0 : i32
      %eq3A_330 = arith.cmpi eq, %jit3A_328, %eq3A_329 : i32
      %jit3A_331 = arith.constant 1 : i32
      %select_n3A_332 = arith.select %eq3A_330, %jit3A_331, %jit3A_328 : i32
      %rem3A_333 = vector.broadcast %select_n3A_332 : i32 to vector<16xi32>
      %rem3A_334 = arith.remsi %add3A_296, %rem3A_333 : vector<16xi32>
      %ne3A_335 = arith.constant 0 : i32
      %ne3A_336 = vector.broadcast %ne3A_335 : i32 to vector<16xi32>
      %ne3A_337 = arith.cmpi ne, %rem3A_334, %ne3A_336 : vector<16xi32>
      %lt3A_338 = arith.constant 0 : i32
      %lt3A_339 = vector.broadcast %lt3A_338 : i32 to vector<16xi32>
      %lt3A_340 = arith.cmpi slt, %rem3A_334, %lt3A_339 : vector<16xi32>
      %lt3A_341 = arith.constant 0 : i32
      %lt3A_342 = arith.cmpi slt, %select_n3A_332, %lt3A_341 : i32
      %ne3A_343 = vector.broadcast %lt3A_342 : i1 to vector<16xi1>
      %ne3A_344 = vector.broadcast %ne3A_343 : vector<16xi1> to vector<16xi1>
      %ne3A_345 = arith.xori %lt3A_340, %ne3A_344 : vector<16xi1>
      %and3A_346 = arith.andi %ne3A_345, %ne3A_337 : vector<16xi1>
      %add3A_347 = vector.broadcast %select_n3A_332 : i32 to vector<16xi32>
      %add3A_348 = arith.addi %rem3A_334, %add3A_347 : vector<16xi32>
      %select_n3A_349 = arith.select %and3A_346, %add3A_348, %rem3A_334 : vector<16xi1>, vector<16xi32>
      tpu.vector_store_idx %arg5[%select_n3A_327, %select_n3A_349], %broadcast_in_dim3A_3 : memref<488x128xf32, #tpu.memory_space<vmem>>[vector<16xi32>, vector<16xi32>], vector<16xf32>,
      %scan3A_350 = arith.constant 4 : i32
      %scan3A_351 = arith.addi %scan3A_115, %scan3A_350 : i32
      %mul3A_352 = arith.constant 16 : i32
      %mul3A_353 = arith.muli %scan3A_351, %mul3A_352 : i32
      %add3A_354 = vector.broadcast %mul3A_353 : i32 to vector<16xi32>
      %add3A_355 = arith.addi %iota3A, %add3A_354 : vector<16xi32>
      %jit3A_356 = arith.constant 128 : i32
      %div3A_357 = vector.broadcast %jit3A_356 : i32 to vector<16xi32>
      %div3A_358 = arith.divsi %add3A_355, %div3A_357 : vector<16xi32>
      %sign3A_359 = arith.constant 0 : i32
      %sign3A_360 = vector.broadcast %sign3A_359 : i32 to vector<16xi32>
      %sign3A_361 = arith.cmpi sgt, %add3A_355, %sign3A_360 : vector<16xi32>
      %sign3A_362 = arith.extui %sign3A_361 : vector<16xi1> to vector<16xi32>
      %sign3A_363 = arith.constant 0 : i32
      %sign3A_364 = vector.broadcast %sign3A_363 : i32 to vector<16xi32>
      %sign3A_365 = arith.cmpi slt, %add3A_355, %sign3A_364 : vector<16xi32>
      %sign3A_366 = arith.extui %sign3A_365 : vector<16xi1> to vector<16xi32>
      %sign3A_367 = arith.subi %sign3A_362, %sign3A_366 : vector<16xi32>
      %sign3A_368 = arith.constant 0 : i32
      %sign3A_369 = arith.cmpi sgt, %jit3A_356, %sign3A_368 : i32
      %sign3A_370 = arith.extui %sign3A_369 : i1 to i32
      %sign3A_371 = arith.constant 0 : i32
      %sign3A_372 = arith.cmpi slt, %jit3A_356, %sign3A_371 : i32
      %sign3A_373 = arith.extui %sign3A_372 : i1 to i32
      %sign3A_374 = arith.subi %sign3A_370, %sign3A_373 : i32
      %ne3A_375 = vector.broadcast %sign3A_374 : i32 to vector<16xi32>
      %ne3A_376 = arith.cmpi ne, %sign3A_367, %ne3A_375 : vector<16xi32>
      %rem3A_377 = vector.broadcast %jit3A_356 : i32 to vector<16xi32>
      %rem3A_378 = arith.remsi %add3A_355, %rem3A_377 : vector<16xi32>
      %ne3A_379 = arith.constant 0 : i32
      %ne3A_380 = vector.broadcast %ne3A_379 : i32 to vector<16xi32>
      %ne3A_381 = arith.cmpi ne, %rem3A_378, %ne3A_380 : vector<16xi32>
      %and3A_382 = arith.andi %ne3A_376, %ne3A_381 : vector<16xi1>
      %sub3A_383 = arith.constant 1 : i32
      %sub3A_384 = vector.broadcast %sub3A_383 : i32 to vector<16xi32>
      %sub3A_385 = arith.subi %div3A_358, %sub3A_384 : vector<16xi32>
      %select_n3A_386 = arith.select %and3A_382, %sub3A_385, %div3A_358 : vector<16xi1>, vector<16xi32>
      %jit3A_387 = arith.constant 128 : i32
      %eq3A_388 = arith.constant 0 : i32
      %eq3A_389 = arith.cmpi eq, %jit3A_387, %eq3A_388 : i32
      %jit3A_390 = arith.constant 1 : i32
      %select_n3A_391 = arith.select %eq3A_389, %jit3A_390, %jit3A_387 : i32
      %rem3A_392 = vector.broadcast %select_n3A_391 : i32 to vector<16xi32>
      %rem3A_393 = arith.remsi %add3A_355, %rem3A_392 : vector<16xi32>
      %ne3A_394 = arith.constant 0 : i32
      %ne3A_395 = vector.broadcast %ne3A_394 : i32 to vector<16xi32>
      %ne3A_396 = arith.cmpi ne, %rem3A_393, %ne3A_395 : vector<16xi32>
      %lt3A_397 = arith.constant 0 : i32
      %lt3A_398 = vector.broadcast %lt3A_397 : i32 to vector<16xi32>
      %lt3A_399 = arith.cmpi slt, %rem3A_393, %lt3A_398 : vector<16xi32>
      %lt3A_400 = arith.constant 0 : i32
      %lt3A_401 = arith.cmpi slt, %select_n3A_391, %lt3A_400 : i32
      %ne3A_402 = vector.broadcast %lt3A_401 : i1 to vector<16xi1>
      %ne3A_403 = vector.broadcast %ne3A_402 : vector<16xi1> to vector<16xi1>
      %ne3A_404 = arith.xori %lt3A_399, %ne3A_403 : vector<16xi1>
      %and3A_405 = arith.andi %ne3A_404, %ne3A_396 : vector<16xi1>
      %add3A_406 = vector.broadcast %select_n3A_391 : i32 to vector<16xi32>
      %add3A_407 = arith.addi %rem3A_393, %add3A_406 : vector<16xi32>
      %select_n3A_408 = arith.select %and3A_405, %add3A_407, %rem3A_393 : vector<16xi1>, vector<16xi32>
      tpu.vector_store_idx %arg5[%select_n3A_386, %select_n3A_408], %broadcast_in_dim3A_3 : memref<488x128xf32, #tpu.memory_space<vmem>>[vector<16xi32>, vector<16xi32>], vector<16xf32>,
      %scan3A_409 = arith.constant 5 : i32
      %scan3A_410 = arith.addi %scan3A_115, %scan3A_409 : i32
      %mul3A_411 = arith.constant 16 : i32
      %mul3A_412 = arith.muli %scan3A_410, %mul3A_411 : i32
      %add3A_413 = vector.broadcast %mul3A_412 : i32 to vector<16xi32>
      %add3A_414 = arith.addi %iota3A, %add3A_413 : vector<16xi32>
      %jit3A_415 = arith.constant 128 : i32
      %div3A_416 = vector.broadcast %jit3A_415 : i32 to vector<16xi32>
      %div3A_417 = arith.divsi %add3A_414, %div3A_416 : vector<16xi32>
      %sign3A_418 = arith.constant 0 : i32
      %sign3A_419 = vector.broadcast %sign3A_418 : i32 to vector<16xi32>
      %sign3A_420 = arith.cmpi sgt, %add3A_414, %sign3A_419 : vector<16xi32>
      %sign3A_421 = arith.extui %sign3A_420 : vector<16xi1> to vector<16xi32>
      %sign3A_422 = arith.constant 0 : i32
      %sign3A_423 = vector.broadcast %sign3A_422 : i32 to vector<16xi32>
      %sign3A_424 = arith.cmpi slt, %add3A_414, %sign3A_423 : vector<16xi32>
      %sign3A_425 = arith.extui %sign3A_424 : vector<16xi1> to vector<16xi32>
      %sign3A_426 = arith.subi %sign3A_421, %sign3A_425 : vector<16xi32>
      %sign3A_427 = arith.constant 0 : i32
      %sign3A_428 = arith.cmpi sgt, %jit3A_415, %sign3A_427 : i32
      %sign3A_429 = arith.extui %sign3A_428 : i1 to i32
      %sign3A_430 = arith.constant 0 : i32
      %sign3A_431 = arith.cmpi slt, %jit3A_415, %sign3A_430 : i32
      %sign3A_432 = arith.extui %sign3A_431 : i1 to i32
      %sign3A_433 = arith.subi %sign3A_429, %sign3A_432 : i32
      %ne3A_434 = vector.broadcast %sign3A_433 : i32 to vector<16xi32>
      %ne3A_435 = arith.cmpi ne, %sign3A_426, %ne3A_434 : vector<16xi32>
      %rem3A_436 = vector.broadcast %jit3A_415 : i32 to vector<16xi32>
      %rem3A_437 = arith.remsi %add3A_414, %rem3A_436 : vector<16xi32>
      %ne3A_438 = arith.constant 0 : i32
      %ne3A_439 = vector.broadcast %ne3A_438 : i32 to vector<16xi32>
      %ne3A_440 = arith.cmpi ne, %rem3A_437, %ne3A_439 : vector<16xi32>
      %and3A_441 = arith.andi %ne3A_435, %ne3A_440 : vector<16xi1>
      %sub3A_442 = arith.constant 1 : i32
      %sub3A_443 = vector.broadcast %sub3A_442 : i32 to vector<16xi32>
      %sub3A_444 = arith.subi %div3A_417, %sub3A_443 : vector<16xi32>
      %select_n3A_445 = arith.select %and3A_441, %sub3A_444, %div3A_417 : vector<16xi1>, vector<16xi32>
      %jit3A_446 = arith.constant 128 : i32
      %eq3A_447 = arith.constant 0 : i32
      %eq3A_448 = arith.cmpi eq, %jit3A_446, %eq3A_447 : i32
      %jit3A_449 = arith.constant 1 : i32
      %select_n3A_450 = arith.select %eq3A_448, %jit3A_449, %jit3A_446 : i32
      %rem3A_451 = vector.broadcast %select_n3A_450 : i32 to vector<16xi32>
      %rem3A_452 = arith.remsi %add3A_414, %rem3A_451 : vector<16xi32>
      %ne3A_453 = arith.constant 0 : i32
      %ne3A_454 = vector.broadcast %ne3A_453 : i32 to vector<16xi32>
      %ne3A_455 = arith.cmpi ne, %rem3A_452, %ne3A_454 : vector<16xi32>
      %lt3A_456 = arith.constant 0 : i32
      %lt3A_457 = vector.broadcast %lt3A_456 : i32 to vector<16xi32>
      %lt3A_458 = arith.cmpi slt, %rem3A_452, %lt3A_457 : vector<16xi32>
      %lt3A_459 = arith.constant 0 : i32
      %lt3A_460 = arith.cmpi slt, %select_n3A_450, %lt3A_459 : i32
      %ne3A_461 = vector.broadcast %lt3A_460 : i1 to vector<16xi1>
      %ne3A_462 = vector.broadcast %ne3A_461 : vector<16xi1> to vector<16xi1>
      %ne3A_463 = arith.xori %lt3A_458, %ne3A_462 : vector<16xi1>
      %and3A_464 = arith.andi %ne3A_463, %ne3A_455 : vector<16xi1>
      %add3A_465 = vector.broadcast %select_n3A_450 : i32 to vector<16xi32>
      %add3A_466 = arith.addi %rem3A_452, %add3A_465 : vector<16xi32>
      %select_n3A_467 = arith.select %and3A_464, %add3A_466, %rem3A_452 : vector<16xi1>, vector<16xi32>
      tpu.vector_store_idx %arg5[%select_n3A_445, %select_n3A_467], %broadcast_in_dim3A_3 : memref<488x128xf32, #tpu.memory_space<vmem>>[vector<16xi32>, vector<16xi32>], vector<16xf32>,
      %scan3A_468 = arith.constant 6 : i32
      %scan3A_469 = arith.addi %scan3A_115, %scan3A_468 : i32
      %mul3A_470 = arith.constant 16 : i32
      %mul3A_471 = arith.muli %scan3A_469, %mul3A_470 : i32
      %add3A_472 = vector.broadcast %mul3A_471 : i32 to vector<16xi32>
      %add3A_473 = arith.addi %iota3A, %add3A_472 : vector<16xi32>
      %jit3A_474 = arith.constant 128 : i32
      %div3A_475 = vector.broadcast %jit3A_474 : i32 to vector<16xi32>
      %div3A_476 = arith.divsi %add3A_473, %div3A_475 : vector<16xi32>
      %sign3A_477 = arith.constant 0 : i32
      %sign3A_478 = vector.broadcast %sign3A_477 : i32 to vector<16xi32>
      %sign3A_479 = arith.cmpi sgt, %add3A_473, %sign3A_478 : vector<16xi32>
      %sign3A_480 = arith.extui %sign3A_479 : vector<16xi1> to vector<16xi32>
      %sign3A_481 = arith.constant 0 : i32
      %sign3A_482 = vector.broadcast %sign3A_481 : i32 to vector<16xi32>
      %sign3A_483 = arith.cmpi slt, %add3A_473, %sign3A_482 : vector<16xi32>
      %sign3A_484 = arith.extui %sign3A_483 : vector<16xi1> to vector<16xi32>
      %sign3A_485 = arith.subi %sign3A_480, %sign3A_484 : vector<16xi32>
      %sign3A_486 = arith.constant 0 : i32
      %sign3A_487 = arith.cmpi sgt, %jit3A_474, %sign3A_486 : i32
      %sign3A_488 = arith.extui %sign3A_487 : i1 to i32
      %sign3A_489 = arith.constant 0 : i32
      %sign3A_490 = arith.cmpi slt, %jit3A_474, %sign3A_489 : i32
      %sign3A_491 = arith.extui %sign3A_490 : i1 to i32
      %sign3A_492 = arith.subi %sign3A_488, %sign3A_491 : i32
      %ne3A_493 = vector.broadcast %sign3A_492 : i32 to vector<16xi32>
      %ne3A_494 = arith.cmpi ne, %sign3A_485, %ne3A_493 : vector<16xi32>
      %rem3A_495 = vector.broadcast %jit3A_474 : i32 to vector<16xi32>
      %rem3A_496 = arith.remsi %add3A_473, %rem3A_495 : vector<16xi32>
      %ne3A_497 = arith.constant 0 : i32
      %ne3A_498 = vector.broadcast %ne3A_497 : i32 to vector<16xi32>
      %ne3A_499 = arith.cmpi ne, %rem3A_496, %ne3A_498 : vector<16xi32>
      %and3A_500 = arith.andi %ne3A_494, %ne3A_499 : vector<16xi1>
      %sub3A_501 = arith.constant 1 : i32
      %sub3A_502 = vector.broadcast %sub3A_501 : i32 to vector<16xi32>
      %sub3A_503 = arith.subi %div3A_476, %sub3A_502 : vector<16xi32>
      %select_n3A_504 = arith.select %and3A_500, %sub3A_503, %div3A_476 : vector<16xi1>, vector<16xi32>
      %jit3A_505 = arith.constant 128 : i32
      %eq3A_506 = arith.constant 0 : i32
      %eq3A_507 = arith.cmpi eq, %jit3A_505, %eq3A_506 : i32
      %jit3A_508 = arith.constant 1 : i32
      %select_n3A_509 = arith.select %eq3A_507, %jit3A_508, %jit3A_505 : i32
      %rem3A_510 = vector.broadcast %select_n3A_509 : i32 to vector<16xi32>
      %rem3A_511 = arith.remsi %add3A_473, %rem3A_510 : vector<16xi32>
      %ne3A_512 = arith.constant 0 : i32
      %ne3A_513 = vector.broadcast %ne3A_512 : i32 to vector<16xi32>
      %ne3A_514 = arith.cmpi ne, %rem3A_511, %ne3A_513 : vector<16xi32>
      %lt3A_515 = arith.constant 0 : i32
      %lt3A_516 = vector.broadcast %lt3A_515 : i32 to vector<16xi32>
      %lt3A_517 = arith.cmpi slt, %rem3A_511, %lt3A_516 : vector<16xi32>
      %lt3A_518 = arith.constant 0 : i32
      %lt3A_519 = arith.cmpi slt, %select_n3A_509, %lt3A_518 : i32
      %ne3A_520 = vector.broadcast %lt3A_519 : i1 to vector<16xi1>
      %ne3A_521 = vector.broadcast %ne3A_520 : vector<16xi1> to vector<16xi1>
      %ne3A_522 = arith.xori %lt3A_517, %ne3A_521 : vector<16xi1>
      %and3A_523 = arith.andi %ne3A_522, %ne3A_514 : vector<16xi1>
      %add3A_524 = vector.broadcast %select_n3A_509 : i32 to vector<16xi32>
      %add3A_525 = arith.addi %rem3A_511, %add3A_524 : vector<16xi32>
      %select_n3A_526 = arith.select %and3A_523, %add3A_525, %rem3A_511 : vector<16xi1>, vector<16xi32>
      tpu.vector_store_idx %arg5[%select_n3A_504, %select_n3A_526], %broadcast_in_dim3A_3 : memref<488x128xf32, #tpu.memory_space<vmem>>[vector<16xi32>, vector<16xi32>], vector<16xf32>,
      %scan3A_527 = arith.constant 7 : i32
      %scan3A_528 = arith.addi %scan3A_115, %scan3A_527 : i32
      %mul3A_529 = arith.constant 16 : i32
      %mul3A_530 = arith.muli %scan3A_528, %mul3A_529 : i32
      %add3A_531 = vector.broadcast %mul3A_530 : i32 to vector<16xi32>
      %add3A_532 = arith.addi %iota3A, %add3A_531 : vector<16xi32>
      %jit3A_533 = arith.constant 128 : i32
      %div3A_534 = vector.broadcast %jit3A_533 : i32 to vector<16xi32>
      %div3A_535 = arith.divsi %add3A_532, %div3A_534 : vector<16xi32>
      %sign3A_536 = arith.constant 0 : i32
      %sign3A_537 = vector.broadcast %sign3A_536 : i32 to vector<16xi32>
      %sign3A_538 = arith.cmpi sgt, %add3A_532, %sign3A_537 : vector<16xi32>
      %sign3A_539 = arith.extui %sign3A_538 : vector<16xi1> to vector<16xi32>
      %sign3A_540 = arith.constant 0 : i32
      %sign3A_541 = vector.broadcast %sign3A_540 : i32 to vector<16xi32>
      %sign3A_542 = arith.cmpi slt, %add3A_532, %sign3A_541 : vector<16xi32>
      %sign3A_543 = arith.extui %sign3A_542 : vector<16xi1> to vector<16xi32>
      %sign3A_544 = arith.subi %sign3A_539, %sign3A_543 : vector<16xi32>
      %sign3A_545 = arith.constant 0 : i32
      %sign3A_546 = arith.cmpi sgt, %jit3A_533, %sign3A_545 : i32
      %sign3A_547 = arith.extui %sign3A_546 : i1 to i32
      %sign3A_548 = arith.constant 0 : i32
      %sign3A_549 = arith.cmpi slt, %jit3A_533, %sign3A_548 : i32
      %sign3A_550 = arith.extui %sign3A_549 : i1 to i32
      %sign3A_551 = arith.subi %sign3A_547, %sign3A_550 : i32
      %ne3A_552 = vector.broadcast %sign3A_551 : i32 to vector<16xi32>
      %ne3A_553 = arith.cmpi ne, %sign3A_544, %ne3A_552 : vector<16xi32>
      %rem3A_554 = vector.broadcast %jit3A_533 : i32 to vector<16xi32>
      %rem3A_555 = arith.remsi %add3A_532, %rem3A_554 : vector<16xi32>
      %ne3A_556 = arith.constant 0 : i32
      %ne3A_557 = vector.broadcast %ne3A_556 : i32 to vector<16xi32>
      %ne3A_558 = arith.cmpi ne, %rem3A_555, %ne3A_557 : vector<16xi32>
      %and3A_559 = arith.andi %ne3A_553, %ne3A_558 : vector<16xi1>
      %sub3A_560 = arith.constant 1 : i32
      %sub3A_561 = vector.broadcast %sub3A_560 : i32 to vector<16xi32>
      %sub3A_562 = arith.subi %div3A_535, %sub3A_561 : vector<16xi32>
      %select_n3A_563 = arith.select %and3A_559, %sub3A_562, %div3A_535 : vector<16xi1>, vector<16xi32>
      %jit3A_564 = arith.constant 128 : i32
      %eq3A_565 = arith.constant 0 : i32
      %eq3A_566 = arith.cmpi eq, %jit3A_564, %eq3A_565 : i32
      %jit3A_567 = arith.constant 1 : i32
      %select_n3A_568 = arith.select %eq3A_566, %jit3A_567, %jit3A_564 : i32
      %rem3A_569 = vector.broadcast %select_n3A_568 : i32 to vector<16xi32>
      %rem3A_570 = arith.remsi %add3A_532, %rem3A_569 : vector<16xi32>
      %ne3A_571 = arith.constant 0 : i32
      %ne3A_572 = vector.broadcast %ne3A_571 : i32 to vector<16xi32>
      %ne3A_573 = arith.cmpi ne, %rem3A_570, %ne3A_572 : vector<16xi32>
      %lt3A_574 = arith.constant 0 : i32
      %lt3A_575 = vector.broadcast %lt3A_574 : i32 to vector<16xi32>
      %lt3A_576 = arith.cmpi slt, %rem3A_570, %lt3A_575 : vector<16xi32>
      %lt3A_577 = arith.constant 0 : i32
      %lt3A_578 = arith.cmpi slt, %select_n3A_568, %lt3A_577 : i32
      %ne3A_579 = vector.broadcast %lt3A_578 : i1 to vector<16xi1>
      %ne3A_580 = vector.broadcast %ne3A_579 : vector<16xi1> to vector<16xi1>
      %ne3A_581 = arith.xori %lt3A_576, %ne3A_580 : vector<16xi1>
      %and3A_582 = arith.andi %ne3A_581, %ne3A_573 : vector<16xi1>
      %add3A_583 = vector.broadcast %select_n3A_568 : i32 to vector<16xi32>
      %add3A_584 = arith.addi %rem3A_570, %add3A_583 : vector<16xi32>
      %select_n3A_585 = arith.select %and3A_582, %add3A_584, %rem3A_570 : vector<16xi1>, vector<16xi32>
      tpu.vector_store_idx %arg5[%select_n3A_563, %select_n3A_585], %broadcast_in_dim3A_3 : memref<488x128xf32, #tpu.memory_space<vmem>>[vector<16xi32>, vector<16xi32>], vector<16xf32>,
    }
    %scan3A_16 = arith.constant 3904 : i32
    %scan3A_17 = arith.constant 0 : i32
    %scan3A_18 = arith.constant 20 : i32
    %scan3A_19 = arith.addi %scan3A_17, %scan3A_18 : i32
    %scan3A_20 = arith.constant 1 : i32
    scf.for %scan3A_115 = %scan3A_17 to %scan3A_19 step %scan3A_20  : i32 {
      %gt3A = arith.constant 0 : i32
      %gt3A_116 = arith.cmpi sgt, %scan3A_115, %gt3A : i32
      %convert_element_type3A = arith.extui %gt3A_116 : i1 to i32
      %cond3A = arith.constant 0 : i32
      %cond3A_117 = arith.cmpi ne, %convert_element_type3A, %cond3A : i32
      scf.if %cond3A_117 {
        %sub3A_624 = arith.constant 1 : i32
        %sub3A_625 = arith.subi %scan3A_115, %sub3A_624 : i32
        %mul3A_626 = arith.constant 20 : i32
        %mul3A_627 = arith.muli %add3A, %mul3A_626 : i32
        %add3A_628 = arith.addi %mul3A_627, %sub3A_625 : i32
        %jit3A_629 = arith.constant 32 : i32
        %div3A_630 = arith.divsi %add3A_628, %jit3A_629 : i32
        %sign3A_631 = arith.constant 0 : i32
        %sign3A_632 = arith.cmpi sgt, %add3A_628, %sign3A_631 : i32
        %sign3A_633 = arith.extui %sign3A_632 : i1 to i32
        %sign3A_634 = arith.constant 0 : i32
        %sign3A_635 = arith.cmpi slt, %add3A_628, %sign3A_634 : i32
        %sign3A_636 = arith.extui %sign3A_635 : i1 to i32
        %sign3A_637 = arith.subi %sign3A_633, %sign3A_636 : i32
        %sign3A_638 = arith.constant 0 : i32
        %sign3A_639 = arith.cmpi sgt, %jit3A_629, %sign3A_638 : i32
        %sign3A_640 = arith.extui %sign3A_639 : i1 to i32
        %sign3A_641 = arith.constant 0 : i32
        %sign3A_642 = arith.cmpi slt, %jit3A_629, %sign3A_641 : i32
        %sign3A_643 = arith.extui %sign3A_642 : i1 to i32
        %sign3A_644 = arith.subi %sign3A_640, %sign3A_643 : i32
        %ne3A_645 = arith.cmpi ne, %sign3A_637, %sign3A_644 : i32
        %rem3A_646 = arith.remsi %add3A_628, %jit3A_629 : i32
        %ne3A_647 = arith.constant 0 : i32
        %ne3A_648 = arith.cmpi ne, %rem3A_646, %ne3A_647 : i32
        %and3A_649 = arith.andi %ne3A_645, %ne3A_648 : i1
        %sub3A_650 = arith.constant 1 : i32
        %sub3A_651 = arith.subi %div3A_630, %sub3A_650 : i32
        %select_n3A_652 = arith.select %and3A_649, %sub3A_651, %div3A_630 : i32
        %jit3A_653 = arith.constant 32 : i32
        %eq3A_654 = arith.constant 0 : i32
        %eq3A_655 = arith.cmpi eq, %jit3A_653, %eq3A_654 : i32
        %jit3A_656 = arith.constant 1 : i32
        %select_n3A_657 = arith.select %eq3A_655, %jit3A_656, %jit3A_653 : i32
        %rem3A_658 = arith.remsi %add3A_628, %select_n3A_657 : i32
        %ne3A_659 = arith.constant 0 : i32
        %ne3A_660 = arith.cmpi ne, %rem3A_658, %ne3A_659 : i32
        %lt3A_661 = arith.constant 0 : i32
        %lt3A_662 = arith.cmpi slt, %rem3A_658, %lt3A_661 : i32
        %lt3A_663 = arith.constant 0 : i32
        %lt3A_664 = arith.cmpi slt, %select_n3A_657, %lt3A_663 : i32
        %ne3A_665 = arith.xori %lt3A_662, %lt3A_664 : i1
        %and3A_666 = arith.andi %ne3A_665, %ne3A_660 : i1
        %add3A_667 = arith.addi %rem3A_658, %select_n3A_657 : i32
        %select_n3A_668 = arith.select %and3A_666, %add3A_667, %rem3A_658 : i32
        %mul3A_669 = arith.constant 128 : i32
        %mul3A_670 = arith.muli %select_n3A_668, %mul3A_669 : i32
        %mul3A_671 = arith.constant 1000 : i32
        %mul3A_672 = arith.muli %select_n3A_652, %mul3A_671 : i32
        %add3A_673 = arith.constant 0 : i32
        %add3A_674 = arith.addi %mul3A_672, %add3A_673 : i32
        %dma_wait3A_675 = tpu.memref_slice %arg3[%add3A_674, %mul3A_670] : memref<20000x4096xf32, #tpu.memory_space<hbm>> -> memref<512x128xf32, #tpu.memory_space<hbm>>
        %dma_wait3A_676 = tpu.memref_slice %arg3[%add3A_674, %mul3A_670] : memref<20000x4096xf32, #tpu.memory_space<hbm>> -> memref<512x128xf32, #tpu.memory_space<hbm>>
        tpu.wait_dma2 semaphore(%arg7 : memref<!tpu.dma_semaphore, #tpu.memory_space<semaphore_mem>>) src(%arg4 : memref<512x128xf32, #tpu.memory_space<vmem>>) dst(%dma_wait3A_676 : memref<512x128xf32, #tpu.memory_space<hbm>>)
        %sub3A_677 = arith.constant 1 : i32
        %sub3A_678 = arith.subi %scan3A_115, %sub3A_677 : i32
        %scan3A_679 = arith.constant 0 : i32
        %mul3A_680 = arith.constant 128 : i32
        %mul3A_681 = arith.muli %sub3A_678, %mul3A_680 : i32
        %mul3A_682 = arith.constant 16 : i32
        %mul3A_683 = arith.muli %scan3A_679, %mul3A_682 : i32
        %add3A_684 = arith.addi %mul3A_681, %mul3A_683 : i32
        %get3A_685 = arith.index_cast %add3A_684 : i32 to index
        %get3A_686 = tpu.vector_load %arg6[%get3A_685] {strides = array<i32>} : memref<2560xi32, #tpu.memory_space<vmem>>, vector<16xi32>,
        %sub3A_687 = arith.constant 0 : i32
        %sub3A_688 = vector.broadcast %sub3A_687 : i32 to vector<16xi32>
        %sub3A_689 = arith.subi %get3A_686, %sub3A_688 : vector<16xi32>
        %ge3A_690 = arith.constant 0 : i32
        %ge3A_691 = vector.broadcast %ge3A_690 : i32 to vector<16xi32>
        %ge3A_692 = arith.cmpi sge, %sub3A_689, %ge3A_691 : vector<16xi32>
        %lt3A_693 = arith.constant 512 : i32
        %lt3A_694 = vector.broadcast %lt3A_693 : i32 to vector<16xi32>
        %lt3A_695 = arith.cmpi slt, %sub3A_689, %lt3A_694 : vector<16xi32>
        %and3A_696 = arith.andi %ge3A_692, %lt3A_695 : vector<16xi1>
        %jit3A_697 = arith.constant 0 : i32
        %broadcast_in_dim3A_698 = vector.broadcast %jit3A_697 : i32 to vector<16xi32>
        %select_n3A_699 = arith.select %and3A_696, %sub3A_689, %broadcast_in_dim3A_698 : vector<16xi1>, vector<16xi32>
        %mul3A_700 = arith.constant 16 : i32
        %mul3A_701 = arith.muli %scan3A_679, %mul3A_700 : i32
        %add3A_702 = vector.broadcast %mul3A_701 : i32 to vector<16xi32>
        %add3A_703 = arith.addi %iota3A, %add3A_702 : vector<16xi32>
        tpu.vector_store_idx %arg4[%select_n3A_699, %add3A_703], %broadcast_in_dim3A_3 masked %and3A_696 : memref<512x128xf32, #tpu.memory_space<vmem>>[vector<16xi32>, vector<16xi32>], vector<16xf32>, vector<16xi1>
        %scan3A_704 = arith.constant 1 : i32
        %mul3A_705 = arith.constant 128 : i32
        %mul3A_706 = arith.muli %sub3A_678, %mul3A_705 : i32
        %mul3A_707 = arith.constant 16 : i32
        %mul3A_708 = arith.muli %scan3A_704, %mul3A_707 : i32
        %add3A_709 = arith.addi %mul3A_706, %mul3A_708 : i32
        %get3A_710 = arith.index_cast %add3A_709 : i32 to index
        %get3A_711 = tpu.vector_load %arg6[%get3A_710] {strides = array<i32>} : memref<2560xi32, #tpu.memory_space<vmem>>, vector<16xi32>,
        %sub3A_712 = arith.constant 0 : i32
        %sub3A_713 = vector.broadcast %sub3A_712 : i32 to vector<16xi32>
        %sub3A_714 = arith.subi %get3A_711, %sub3A_713 : vector<16xi32>
        %ge3A_715 = arith.constant 0 : i32
        %ge3A_716 = vector.broadcast %ge3A_715 : i32 to vector<16xi32>
        %ge3A_717 = arith.cmpi sge, %sub3A_714, %ge3A_716 : vector<16xi32>
        %lt3A_718 = arith.constant 512 : i32
        %lt3A_719 = vector.broadcast %lt3A_718 : i32 to vector<16xi32>
        %lt3A_720 = arith.cmpi slt, %sub3A_714, %lt3A_719 : vector<16xi32>
        %and3A_721 = arith.andi %ge3A_717, %lt3A_720 : vector<16xi1>
        %jit3A_722 = arith.constant 0 : i32
        %broadcast_in_dim3A_723 = vector.broadcast %jit3A_722 : i32 to vector<16xi32>
        %select_n3A_724 = arith.select %and3A_721, %sub3A_714, %broadcast_in_dim3A_723 : vector<16xi1>, vector<16xi32>
        %mul3A_725 = arith.constant 16 : i32
        %mul3A_726 = arith.muli %scan3A_704, %mul3A_725 : i32
        %add3A_727 = vector.broadcast %mul3A_726 : i32 to vector<16xi32>
        %add3A_728 = arith.addi %iota3A, %add3A_727 : vector<16xi32>
        tpu.vector_store_idx %arg4[%select_n3A_724, %add3A_728], %broadcast_in_dim3A_3 masked %and3A_721 : memref<512x128xf32, #tpu.memory_space<vmem>>[vector<16xi32>, vector<16xi32>], vector<16xf32>, vector<16xi1>
        %scan3A_729 = arith.constant 2 : i32
        %mul3A_730 = arith.constant 128 : i32
        %mul3A_731 = arith.muli %sub3A_678, %mul3A_730 : i32
        %mul3A_732 = arith.constant 16 : i32
        %mul3A_733 = arith.muli %scan3A_729, %mul3A_732 : i32
        %add3A_734 = arith.addi %mul3A_731, %mul3A_733 : i32
        %get3A_735 = arith.index_cast %add3A_734 : i32 to index
        %get3A_736 = tpu.vector_load %arg6[%get3A_735] {strides = array<i32>} : memref<2560xi32, #tpu.memory_space<vmem>>, vector<16xi32>,
        %sub3A_737 = arith.constant 0 : i32
        %sub3A_738 = vector.broadcast %sub3A_737 : i32 to vector<16xi32>
        %sub3A_739 = arith.subi %get3A_736, %sub3A_738 : vector<16xi32>
        %ge3A_740 = arith.constant 0 : i32
        %ge3A_741 = vector.broadcast %ge3A_740 : i32 to vector<16xi32>
        %ge3A_742 = arith.cmpi sge, %sub3A_739, %ge3A_741 : vector<16xi32>
        %lt3A_743 = arith.constant 512 : i32
        %lt3A_744 = vector.broadcast %lt3A_743 : i32 to vector<16xi32>
        %lt3A_745 = arith.cmpi slt, %sub3A_739, %lt3A_744 : vector<16xi32>
        %and3A_746 = arith.andi %ge3A_742, %lt3A_745 : vector<16xi1>
        %jit3A_747 = arith.constant 0 : i32
        %broadcast_in_dim3A_748 = vector.broadcast %jit3A_747 : i32 to vector<16xi32>
        %select_n3A_749 = arith.select %and3A_746, %sub3A_739, %broadcast_in_dim3A_748 : vector<16xi1>, vector<16xi32>
        %mul3A_750 = arith.constant 16 : i32
        %mul3A_751 = arith.muli %scan3A_729, %mul3A_750 : i32
        %add3A_752 = vector.broadcast %mul3A_751 : i32 to vector<16xi32>
        %add3A_753 = arith.addi %iota3A, %add3A_752 : vector<16xi32>
        tpu.vector_store_idx %arg4[%select_n3A_749, %add3A_753], %broadcast_in_dim3A_3 masked %and3A_746 : memref<512x128xf32, #tpu.memory_space<vmem>>[vector<16xi32>, vector<16xi32>], vector<16xf32>, vector<16xi1>
        %scan3A_754 = arith.constant 3 : i32
        %mul3A_755 = arith.constant 128 : i32
        %mul3A_756 = arith.muli %sub3A_678, %mul3A_755 : i32
        %mul3A_757 = arith.constant 16 : i32
        %mul3A_758 = arith.muli %scan3A_754, %mul3A_757 : i32
        %add3A_759 = arith.addi %mul3A_756, %mul3A_758 : i32
        %get3A_760 = arith.index_cast %add3A_759 : i32 to index
        %get3A_761 = tpu.vector_load %arg6[%get3A_760] {strides = array<i32>} : memref<2560xi32, #tpu.memory_space<vmem>>, vector<16xi32>,
        %sub3A_762 = arith.constant 0 : i32
        %sub3A_763 = vector.broadcast %sub3A_762 : i32 to vector<16xi32>
        %sub3A_764 = arith.subi %get3A_761, %sub3A_763 : vector<16xi32>
        %ge3A_765 = arith.constant 0 : i32
        %ge3A_766 = vector.broadcast %ge3A_765 : i32 to vector<16xi32>
        %ge3A_767 = arith.cmpi sge, %sub3A_764, %ge3A_766 : vector<16xi32>
        %lt3A_768 = arith.constant 512 : i32
        %lt3A_769 = vector.broadcast %lt3A_768 : i32 to vector<16xi32>
        %lt3A_770 = arith.cmpi slt, %sub3A_764, %lt3A_769 : vector<16xi32>
        %and3A_771 = arith.andi %ge3A_767, %lt3A_770 : vector<16xi1>
        %jit3A_772 = arith.constant 0 : i32
        %broadcast_in_dim3A_773 = vector.broadcast %jit3A_772 : i32 to vector<16xi32>
        %select_n3A_774 = arith.select %and3A_771, %sub3A_764, %broadcast_in_dim3A_773 : vector<16xi1>, vector<16xi32>
        %mul3A_775 = arith.constant 16 : i32
        %mul3A_776 = arith.muli %scan3A_754, %mul3A_775 : i32
        %add3A_777 = vector.broadcast %mul3A_776 : i32 to vector<16xi32>
        %add3A_778 = arith.addi %iota3A, %add3A_777 : vector<16xi32>
        tpu.vector_store_idx %arg4[%select_n3A_774, %add3A_778], %broadcast_in_dim3A_3 masked %and3A_771 : memref<512x128xf32, #tpu.memory_space<vmem>>[vector<16xi32>, vector<16xi32>], vector<16xf32>, vector<16xi1>
        %scan3A_779 = arith.constant 4 : i32
        %mul3A_780 = arith.constant 128 : i32
        %mul3A_781 = arith.muli %sub3A_678, %mul3A_780 : i32
        %mul3A_782 = arith.constant 16 : i32
        %mul3A_783 = arith.muli %scan3A_779, %mul3A_782 : i32
        %add3A_784 = arith.addi %mul3A_781, %mul3A_783 : i32
        %get3A_785 = arith.index_cast %add3A_784 : i32 to index
        %get3A_786 = tpu.vector_load %arg6[%get3A_785] {strides = array<i32>} : memref<2560xi32, #tpu.memory_space<vmem>>, vector<16xi32>,
        %sub3A_787 = arith.constant 0 : i32
        %sub3A_788 = vector.broadcast %sub3A_787 : i32 to vector<16xi32>
        %sub3A_789 = arith.subi %get3A_786, %sub3A_788 : vector<16xi32>
        %ge3A_790 = arith.constant 0 : i32
        %ge3A_791 = vector.broadcast %ge3A_790 : i32 to vector<16xi32>
        %ge3A_792 = arith.cmpi sge, %sub3A_789, %ge3A_791 : vector<16xi32>
        %lt3A_793 = arith.constant 512 : i32
        %lt3A_794 = vector.broadcast %lt3A_793 : i32 to vector<16xi32>
        %lt3A_795 = arith.cmpi slt, %sub3A_789, %lt3A_794 : vector<16xi32>
        %and3A_796 = arith.andi %ge3A_792, %lt3A_795 : vector<16xi1>
        %jit3A_797 = arith.constant 0 : i32
        %broadcast_in_dim3A_798 = vector.broadcast %jit3A_797 : i32 to vector<16xi32>
        %select_n3A_799 = arith.select %and3A_796, %sub3A_789, %broadcast_in_dim3A_798 : vector<16xi1>, vector<16xi32>
        %mul3A_800 = arith.constant 16 : i32
        %mul3A_801 = arith.muli %scan3A_779, %mul3A_800 : i32
        %add3A_802 = vector.broadcast %mul3A_801 : i32 to vector<16xi32>
        %add3A_803 = arith.addi %iota3A, %add3A_802 : vector<16xi32>
        tpu.vector_store_idx %arg4[%select_n3A_799, %add3A_803], %broadcast_in_dim3A_3 masked %and3A_796 : memref<512x128xf32, #tpu.memory_space<vmem>>[vector<16xi32>, vector<16xi32>], vector<16xf32>, vector<16xi1>
        %scan3A_804 = arith.constant 5 : i32
        %mul3A_805 = arith.constant 128 : i32
        %mul3A_806 = arith.muli %sub3A_678, %mul3A_805 : i32
        %mul3A_807 = arith.constant 16 : i32
        %mul3A_808 = arith.muli %scan3A_804, %mul3A_807 : i32
        %add3A_809 = arith.addi %mul3A_806, %mul3A_808 : i32
        %get3A_810 = arith.index_cast %add3A_809 : i32 to index
        %get3A_811 = tpu.vector_load %arg6[%get3A_810] {strides = array<i32>} : memref<2560xi32, #tpu.memory_space<vmem>>, vector<16xi32>,
        %sub3A_812 = arith.constant 0 : i32
        %sub3A_813 = vector.broadcast %sub3A_812 : i32 to vector<16xi32>
        %sub3A_814 = arith.subi %get3A_811, %sub3A_813 : vector<16xi32>
        %ge3A_815 = arith.constant 0 : i32
        %ge3A_816 = vector.broadcast %ge3A_815 : i32 to vector<16xi32>
        %ge3A_817 = arith.cmpi sge, %sub3A_814, %ge3A_816 : vector<16xi32>
        %lt3A_818 = arith.constant 512 : i32
        %lt3A_819 = vector.broadcast %lt3A_818 : i32 to vector<16xi32>
        %lt3A_820 = arith.cmpi slt, %sub3A_814, %lt3A_819 : vector<16xi32>
        %and3A_821 = arith.andi %ge3A_817, %lt3A_820 : vector<16xi1>
        %jit3A_822 = arith.constant 0 : i32
        %broadcast_in_dim3A_823 = vector.broadcast %jit3A_822 : i32 to vector<16xi32>
        %select_n3A_824 = arith.select %and3A_821, %sub3A_814, %broadcast_in_dim3A_823 : vector<16xi1>, vector<16xi32>
        %mul3A_825 = arith.constant 16 : i32
        %mul3A_826 = arith.muli %scan3A_804, %mul3A_825 : i32
        %add3A_827 = vector.broadcast %mul3A_826 : i32 to vector<16xi32>
        %add3A_828 = arith.addi %iota3A, %add3A_827 : vector<16xi32>
        tpu.vector_store_idx %arg4[%select_n3A_824, %add3A_828], %broadcast_in_dim3A_3 masked %and3A_821 : memref<512x128xf32, #tpu.memory_space<vmem>>[vector<16xi32>, vector<16xi32>], vector<16xf32>, vector<16xi1>
        %scan3A_829 = arith.constant 6 : i32
        %mul3A_830 = arith.constant 128 : i32
        %mul3A_831 = arith.muli %sub3A_678, %mul3A_830 : i32
        %mul3A_832 = arith.constant 16 : i32
        %mul3A_833 = arith.muli %scan3A_829, %mul3A_832 : i32
        %add3A_834 = arith.addi %mul3A_831, %mul3A_833 : i32
        %get3A_835 = arith.index_cast %add3A_834 : i32 to index
        %get3A_836 = tpu.vector_load %arg6[%get3A_835] {strides = array<i32>} : memref<2560xi32, #tpu.memory_space<vmem>>, vector<16xi32>,
        %sub3A_837 = arith.constant 0 : i32
        %sub3A_838 = vector.broadcast %sub3A_837 : i32 to vector<16xi32>
        %sub3A_839 = arith.subi %get3A_836, %sub3A_838 : vector<16xi32>
        %ge3A_840 = arith.constant 0 : i32
        %ge3A_841 = vector.broadcast %ge3A_840 : i32 to vector<16xi32>
        %ge3A_842 = arith.cmpi sge, %sub3A_839, %ge3A_841 : vector<16xi32>
        %lt3A_843 = arith.constant 512 : i32
        %lt3A_844 = vector.broadcast %lt3A_843 : i32 to vector<16xi32>
        %lt3A_845 = arith.cmpi slt, %sub3A_839, %lt3A_844 : vector<16xi32>
        %and3A_846 = arith.andi %ge3A_842, %lt3A_845 : vector<16xi1>
        %jit3A_847 = arith.constant 0 : i32
        %broadcast_in_dim3A_848 = vector.broadcast %jit3A_847 : i32 to vector<16xi32>
        %select_n3A_849 = arith.select %and3A_846, %sub3A_839, %broadcast_in_dim3A_848 : vector<16xi1>, vector<16xi32>
        %mul3A_850 = arith.constant 16 : i32
        %mul3A_851 = arith.muli %scan3A_829, %mul3A_850 : i32
        %add3A_852 = vector.broadcast %mul3A_851 : i32 to vector<16xi32>
        %add3A_853 = arith.addi %iota3A, %add3A_852 : vector<16xi32>
        tpu.vector_store_idx %arg4[%select_n3A_849, %add3A_853], %broadcast_in_dim3A_3 masked %and3A_846 : memref<512x128xf32, #tpu.memory_space<vmem>>[vector<16xi32>, vector<16xi32>], vector<16xf32>, vector<16xi1>
        %scan3A_854 = arith.constant 7 : i32
        %mul3A_855 = arith.constant 128 : i32
        %mul3A_856 = arith.muli %sub3A_678, %mul3A_855 : i32
        %mul3A_857 = arith.constant 16 : i32
        %mul3A_858 = arith.muli %scan3A_854, %mul3A_857 : i32
        %add3A_859 = arith.addi %mul3A_856, %mul3A_858 : i32
        %get3A_860 = arith.index_cast %add3A_859 : i32 to index
        %get3A_861 = tpu.vector_load %arg6[%get3A_860] {strides = array<i32>} : memref<2560xi32, #tpu.memory_space<vmem>>, vector<16xi32>,
        %sub3A_862 = arith.constant 0 : i32
        %sub3A_863 = vector.broadcast %sub3A_862 : i32 to vector<16xi32>
        %sub3A_864 = arith.subi %get3A_861, %sub3A_863 : vector<16xi32>
        %ge3A_865 = arith.constant 0 : i32
        %ge3A_866 = vector.broadcast %ge3A_865 : i32 to vector<16xi32>
        %ge3A_867 = arith.cmpi sge, %sub3A_864, %ge3A_866 : vector<16xi32>
        %lt3A_868 = arith.constant 512 : i32
        %lt3A_869 = vector.broadcast %lt3A_868 : i32 to vector<16xi32>
        %lt3A_870 = arith.cmpi slt, %sub3A_864, %lt3A_869 : vector<16xi32>
        %and3A_871 = arith.andi %ge3A_867, %lt3A_870 : vector<16xi1>
        %jit3A_872 = arith.constant 0 : i32
        %broadcast_in_dim3A_873 = vector.broadcast %jit3A_872 : i32 to vector<16xi32>
        %select_n3A_874 = arith.select %and3A_871, %sub3A_864, %broadcast_in_dim3A_873 : vector<16xi1>, vector<16xi32>
        %mul3A_875 = arith.constant 16 : i32
        %mul3A_876 = arith.muli %scan3A_854, %mul3A_875 : i32
        %add3A_877 = vector.broadcast %mul3A_876 : i32 to vector<16xi32>
        %add3A_878 = arith.addi %iota3A, %add3A_877 : vector<16xi32>
        tpu.vector_store_idx %arg4[%select_n3A_874, %add3A_878], %broadcast_in_dim3A_3 masked %and3A_871 : memref<512x128xf32, #tpu.memory_space<vmem>>[vector<16xi32>, vector<16xi32>], vector<16xf32>, vector<16xi1>
        %scan3A_879 = arith.constant 8 : i32
      } else {
      }
      %scan3A_118 = arith.constant 0 : i32
      %mul3A_119 = arith.constant 128 : i32
      %mul3A_120 = arith.muli %scan3A_115, %mul3A_119 : i32
      %mul3A_121 = arith.constant 16 : i32
      %mul3A_122 = arith.muli %scan3A_118, %mul3A_121 : i32
      %add3A_123 = arith.addi %mul3A_120, %mul3A_122 : i32
      %get3A = arith.index_cast %add3A_123 : i32 to index
      %get3A_124 = tpu.vector_load %arg6[%get3A] {strides = array<i32>} : memref<2560xi32, #tpu.memory_space<vmem>>, vector<16xi32>,
      %sub3A_125 = arith.constant 0 : i32
      %sub3A_126 = vector.broadcast %sub3A_125 : i32 to vector<16xi32>
      %sub3A_127 = arith.subi %get3A_124, %sub3A_126 : vector<16xi32>
      %ge3A = arith.constant 0 : i32
      %ge3A_128 = vector.broadcast %ge3A : i32 to vector<16xi32>
      %ge3A_129 = arith.cmpi sge, %sub3A_127, %ge3A_128 : vector<16xi32>
      %lt3A_130 = arith.constant 512 : i32
      %lt3A_131 = vector.broadcast %lt3A_130 : i32 to vector<16xi32>
      %lt3A_132 = arith.cmpi slt, %sub3A_127, %lt3A_131 : vector<16xi32>
      %and3A_133 = arith.andi %ge3A_129, %lt3A_132 : vector<16xi1>
      %jit3A_134 = arith.constant 0 : i32
      %broadcast_in_dim3A_135 = vector.broadcast %jit3A_134 : i32 to vector<16xi32>
      %select_n3A_136 = arith.select %and3A_133, %sub3A_127, %broadcast_in_dim3A_135 : vector<16xi1>, vector<16xi32>
      %mul3A_137 = arith.constant 16 : i32
      %mul3A_138 = arith.muli %scan3A_118, %mul3A_137 : i32
      %add3A_139 = vector.broadcast %mul3A_138 : i32 to vector<16xi32>
      %add3A_140 = arith.addi %iota3A, %add3A_139 : vector<16xi32>
      tpu.vector_store_idx %arg4[%select_n3A_136, %add3A_140], %broadcast_in_dim3A_1 masked %and3A_133 : memref<512x128xf32, #tpu.memory_space<vmem>>[vector<16xi32>, vector<16xi32>], vector<16xf32>, vector<16xi1>
      %scan3A_141 = arith.constant 1 : i32
      %mul3A_142 = arith.constant 128 : i32
      %mul3A_143 = arith.muli %scan3A_115, %mul3A_142 : i32
      %mul3A_144 = arith.constant 16 : i32
      %mul3A_145 = arith.muli %scan3A_141, %mul3A_144 : i32
      %add3A_146 = arith.addi %mul3A_143, %mul3A_145 : i32
      %get3A_147 = arith.index_cast %add3A_146 : i32 to index
      %get3A_148 = tpu.vector_load %arg6[%get3A_147] {strides = array<i32>} : memref<2560xi32, #tpu.memory_space<vmem>>, vector<16xi32>,
      %sub3A_149 = arith.constant 0 : i32
      %sub3A_150 = vector.broadcast %sub3A_149 : i32 to vector<16xi32>
      %sub3A_151 = arith.subi %get3A_148, %sub3A_150 : vector<16xi32>
      %ge3A_152 = arith.constant 0 : i32
      %ge3A_153 = vector.broadcast %ge3A_152 : i32 to vector<16xi32>
      %ge3A_154 = arith.cmpi sge, %sub3A_151, %ge3A_153 : vector<16xi32>
      %lt3A_155 = arith.constant 512 : i32
      %lt3A_156 = vector.broadcast %lt3A_155 : i32 to vector<16xi32>
      %lt3A_157 = arith.cmpi slt, %sub3A_151, %lt3A_156 : vector<16xi32>
      %and3A_158 = arith.andi %ge3A_154, %lt3A_157 : vector<16xi1>
      %jit3A_159 = arith.constant 0 : i32
      %broadcast_in_dim3A_160 = vector.broadcast %jit3A_159 : i32 to vector<16xi32>
      %select_n3A_161 = arith.select %and3A_158, %sub3A_151, %broadcast_in_dim3A_160 : vector<16xi1>, vector<16xi32>
      %mul3A_162 = arith.constant 16 : i32
      %mul3A_163 = arith.muli %scan3A_141, %mul3A_162 : i32
      %add3A_164 = vector.broadcast %mul3A_163 : i32 to vector<16xi32>
      %add3A_165 = arith.addi %iota3A, %add3A_164 : vector<16xi32>
      tpu.vector_store_idx %arg4[%select_n3A_161, %add3A_165], %broadcast_in_dim3A_1 masked %and3A_158 : memref<512x128xf32, #tpu.memory_space<vmem>>[vector<16xi32>, vector<16xi32>], vector<16xf32>, vector<16xi1>
      %scan3A_166 = arith.constant 2 : i32
      %mul3A_167 = arith.constant 128 : i32
      %mul3A_168 = arith.muli %scan3A_115, %mul3A_167 : i32
      %mul3A_169 = arith.constant 16 : i32
      %mul3A_170 = arith.muli %scan3A_166, %mul3A_169 : i32
      %add3A_171 = arith.addi %mul3A_168, %mul3A_170 : i32
      %get3A_172 = arith.index_cast %add3A_171 : i32 to index
      %get3A_173 = tpu.vector_load %arg6[%get3A_172] {strides = array<i32>} : memref<2560xi32, #tpu.memory_space<vmem>>, vector<16xi32>,
      %sub3A_174 = arith.constant 0 : i32
      %sub3A_175 = vector.broadcast %sub3A_174 : i32 to vector<16xi32>
      %sub3A_176 = arith.subi %get3A_173, %sub3A_175 : vector<16xi32>
      %ge3A_177 = arith.constant 0 : i32
      %ge3A_178 = vector.broadcast %ge3A_177 : i32 to vector<16xi32>
      %ge3A_179 = arith.cmpi sge, %sub3A_176, %ge3A_178 : vector<16xi32>
      %lt3A_180 = arith.constant 512 : i32
      %lt3A_181 = vector.broadcast %lt3A_180 : i32 to vector<16xi32>
      %lt3A_182 = arith.cmpi slt, %sub3A_176, %lt3A_181 : vector<16xi32>
      %and3A_183 = arith.andi %ge3A_179, %lt3A_182 : vector<16xi1>
      %jit3A_184 = arith.constant 0 : i32
      %broadcast_in_dim3A_185 = vector.broadcast %jit3A_184 : i32 to vector<16xi32>
      %select_n3A_186 = arith.select %and3A_183, %sub3A_176, %broadcast_in_dim3A_185 : vector<16xi1>, vector<16xi32>
      %mul3A_187 = arith.constant 16 : i32
      %mul3A_188 = arith.muli %scan3A_166, %mul3A_187 : i32
      %add3A_189 = vector.broadcast %mul3A_188 : i32 to vector<16xi32>
      %add3A_190 = arith.addi %iota3A, %add3A_189 : vector<16xi32>
      tpu.vector_store_idx %arg4[%select_n3A_186, %add3A_190], %broadcast_in_dim3A_1 masked %and3A_183 : memref<512x128xf32, #tpu.memory_space<vmem>>[vector<16xi32>, vector<16xi32>], vector<16xf32>, vector<16xi1>
      %scan3A_191 = arith.constant 3 : i32
      %mul3A_192 = arith.constant 128 : i32
      %mul3A_193 = arith.muli %scan3A_115, %mul3A_192 : i32
      %mul3A_194 = arith.constant 16 : i32
      %mul3A_195 = arith.muli %scan3A_191, %mul3A_194 : i32
      %add3A_196 = arith.addi %mul3A_193, %mul3A_195 : i32
      %get3A_197 = arith.index_cast %add3A_196 : i32 to index
      %get3A_198 = tpu.vector_load %arg6[%get3A_197] {strides = array<i32>} : memref<2560xi32, #tpu.memory_space<vmem>>, vector<16xi32>,
      %sub3A_199 = arith.constant 0 : i32
      %sub3A_200 = vector.broadcast %sub3A_199 : i32 to vector<16xi32>
      %sub3A_201 = arith.subi %get3A_198, %sub3A_200 : vector<16xi32>
      %ge3A_202 = arith.constant 0 : i32
      %ge3A_203 = vector.broadcast %ge3A_202 : i32 to vector<16xi32>
      %ge3A_204 = arith.cmpi sge, %sub3A_201, %ge3A_203 : vector<16xi32>
      %lt3A_205 = arith.constant 512 : i32
      %lt3A_206 = vector.broadcast %lt3A_205 : i32 to vector<16xi32>
      %lt3A_207 = arith.cmpi slt, %sub3A_201, %lt3A_206 : vector<16xi32>
      %and3A_208 = arith.andi %ge3A_204, %lt3A_207 : vector<16xi1>
      %jit3A_209 = arith.constant 0 : i32
      %broadcast_in_dim3A_210 = vector.broadcast %jit3A_209 : i32 to vector<16xi32>
      %select_n3A_211 = arith.select %and3A_208, %sub3A_201, %broadcast_in_dim3A_210 : vector<16xi1>, vector<16xi32>
      %mul3A_212 = arith.constant 16 : i32
      %mul3A_213 = arith.muli %scan3A_191, %mul3A_212 : i32
      %add3A_214 = vector.broadcast %mul3A_213 : i32 to vector<16xi32>
      %add3A_215 = arith.addi %iota3A, %add3A_214 : vector<16xi32>
      tpu.vector_store_idx %arg4[%select_n3A_211, %add3A_215], %broadcast_in_dim3A_1 masked %and3A_208 : memref<512x128xf32, #tpu.memory_space<vmem>>[vector<16xi32>, vector<16xi32>], vector<16xf32>, vector<16xi1>
      %scan3A_216 = arith.constant 4 : i32
      %mul3A_217 = arith.constant 128 : i32
      %mul3A_218 = arith.muli %scan3A_115, %mul3A_217 : i32
      %mul3A_219 = arith.constant 16 : i32
      %mul3A_220 = arith.muli %scan3A_216, %mul3A_219 : i32
      %add3A_221 = arith.addi %mul3A_218, %mul3A_220 : i32
      %get3A_222 = arith.index_cast %add3A_221 : i32 to index
      %get3A_223 = tpu.vector_load %arg6[%get3A_222] {strides = array<i32>} : memref<2560xi32, #tpu.memory_space<vmem>>, vector<16xi32>,
      %sub3A_224 = arith.constant 0 : i32
      %sub3A_225 = vector.broadcast %sub3A_224 : i32 to vector<16xi32>
      %sub3A_226 = arith.subi %get3A_223, %sub3A_225 : vector<16xi32>
      %ge3A_227 = arith.constant 0 : i32
      %ge3A_228 = vector.broadcast %ge3A_227 : i32 to vector<16xi32>
      %ge3A_229 = arith.cmpi sge, %sub3A_226, %ge3A_228 : vector<16xi32>
      %lt3A_230 = arith.constant 512 : i32
      %lt3A_231 = vector.broadcast %lt3A_230 : i32 to vector<16xi32>
      %lt3A_232 = arith.cmpi slt, %sub3A_226, %lt3A_231 : vector<16xi32>
      %and3A_233 = arith.andi %ge3A_229, %lt3A_232 : vector<16xi1>
      %jit3A_234 = arith.constant 0 : i32
      %broadcast_in_dim3A_235 = vector.broadcast %jit3A_234 : i32 to vector<16xi32>
      %select_n3A_236 = arith.select %and3A_233, %sub3A_226, %broadcast_in_dim3A_235 : vector<16xi1>, vector<16xi32>
      %mul3A_237 = arith.constant 16 : i32
      %mul3A_238 = arith.muli %scan3A_216, %mul3A_237 : i32
      %add3A_239 = vector.broadcast %mul3A_238 : i32 to vector<16xi32>
      %add3A_240 = arith.addi %iota3A, %add3A_239 : vector<16xi32>
      tpu.vector_store_idx %arg4[%select_n3A_236, %add3A_240], %broadcast_in_dim3A_1 masked %and3A_233 : memref<512x128xf32, #tpu.memory_space<vmem>>[vector<16xi32>, vector<16xi32>], vector<16xf32>, vector<16xi1>
      %scan3A_241 = arith.constant 5 : i32
      %mul3A_242 = arith.constant 128 : i32
      %mul3A_243 = arith.muli %scan3A_115, %mul3A_242 : i32
      %mul3A_244 = arith.constant 16 : i32
      %mul3A_245 = arith.muli %scan3A_241, %mul3A_244 : i32
      %add3A_246 = arith.addi %mul3A_243, %mul3A_245 : i32
      %get3A_247 = arith.index_cast %add3A_246 : i32 to index
      %get3A_248 = tpu.vector_load %arg6[%get3A_247] {strides = array<i32>} : memref<2560xi32, #tpu.memory_space<vmem>>, vector<16xi32>,
      %sub3A_249 = arith.constant 0 : i32
      %sub3A_250 = vector.broadcast %sub3A_249 : i32 to vector<16xi32>
      %sub3A_251 = arith.subi %get3A_248, %sub3A_250 : vector<16xi32>
      %ge3A_252 = arith.constant 0 : i32
      %ge3A_253 = vector.broadcast %ge3A_252 : i32 to vector<16xi32>
      %ge3A_254 = arith.cmpi sge, %sub3A_251, %ge3A_253 : vector<16xi32>
      %lt3A_255 = arith.constant 512 : i32
      %lt3A_256 = vector.broadcast %lt3A_255 : i32 to vector<16xi32>
      %lt3A_257 = arith.cmpi slt, %sub3A_251, %lt3A_256 : vector<16xi32>
      %and3A_258 = arith.andi %ge3A_254, %lt3A_257 : vector<16xi1>
      %jit3A_259 = arith.constant 0 : i32
      %broadcast_in_dim3A_260 = vector.broadcast %jit3A_259 : i32 to vector<16xi32>
      %select_n3A_261 = arith.select %and3A_258, %sub3A_251, %broadcast_in_dim3A_260 : vector<16xi1>, vector<16xi32>
      %mul3A_262 = arith.constant 16 : i32
      %mul3A_263 = arith.muli %scan3A_241, %mul3A_262 : i32
      %add3A_264 = vector.broadcast %mul3A_263 : i32 to vector<16xi32>
      %add3A_265 = arith.addi %iota3A, %add3A_264 : vector<16xi32>
      tpu.vector_store_idx %arg4[%select_n3A_261, %add3A_265], %broadcast_in_dim3A_1 masked %and3A_258 : memref<512x128xf32, #tpu.memory_space<vmem>>[vector<16xi32>, vector<16xi32>], vector<16xf32>, vector<16xi1>
      %scan3A_266 = arith.constant 6 : i32
      %mul3A_267 = arith.constant 128 : i32
      %mul3A_268 = arith.muli %scan3A_115, %mul3A_267 : i32
      %mul3A_269 = arith.constant 16 : i32
      %mul3A_270 = arith.muli %scan3A_266, %mul3A_269 : i32
      %add3A_271 = arith.addi %mul3A_268, %mul3A_270 : i32
      %get3A_272 = arith.index_cast %add3A_271 : i32 to index
      %get3A_273 = tpu.vector_load %arg6[%get3A_272] {strides = array<i32>} : memref<2560xi32, #tpu.memory_space<vmem>>, vector<16xi32>,
      %sub3A_274 = arith.constant 0 : i32
      %sub3A_275 = vector.broadcast %sub3A_274 : i32 to vector<16xi32>
      %sub3A_276 = arith.subi %get3A_273, %sub3A_275 : vector<16xi32>
      %ge3A_277 = arith.constant 0 : i32
      %ge3A_278 = vector.broadcast %ge3A_277 : i32 to vector<16xi32>
      %ge3A_279 = arith.cmpi sge, %sub3A_276, %ge3A_278 : vector<16xi32>
      %lt3A_280 = arith.constant 512 : i32
      %lt3A_281 = vector.broadcast %lt3A_280 : i32 to vector<16xi32>
      %lt3A_282 = arith.cmpi slt, %sub3A_276, %lt3A_281 : vector<16xi32>
      %and3A_283 = arith.andi %ge3A_279, %lt3A_282 : vector<16xi1>
      %jit3A_284 = arith.constant 0 : i32
      %broadcast_in_dim3A_285 = vector.broadcast %jit3A_284 : i32 to vector<16xi32>
      %select_n3A_286 = arith.select %and3A_283, %sub3A_276, %broadcast_in_dim3A_285 : vector<16xi1>, vector<16xi32>
      %mul3A_287 = arith.constant 16 : i32
      %mul3A_288 = arith.muli %scan3A_266, %mul3A_287 : i32
      %add3A_289 = vector.broadcast %mul3A_288 : i32 to vector<16xi32>
      %add3A_290 = arith.addi %iota3A, %add3A_289 : vector<16xi32>
      tpu.vector_store_idx %arg4[%select_n3A_286, %add3A_290], %broadcast_in_dim3A_1 masked %and3A_283 : memref<512x128xf32, #tpu.memory_space<vmem>>[vector<16xi32>, vector<16xi32>], vector<16xf32>, vector<16xi1>
      %scan3A_291 = arith.constant 7 : i32
      %mul3A_292 = arith.constant 128 : i32
      %mul3A_293 = arith.muli %scan3A_115, %mul3A_292 : i32
      %mul3A_294 = arith.constant 16 : i32
      %mul3A_295 = arith.muli %scan3A_291, %mul3A_294 : i32
      %add3A_296 = arith.addi %mul3A_293, %mul3A_295 : i32
      %get3A_297 = arith.index_cast %add3A_296 : i32 to index
      %get3A_298 = tpu.vector_load %arg6[%get3A_297] {strides = array<i32>} : memref<2560xi32, #tpu.memory_space<vmem>>, vector<16xi32>,
      %sub3A_299 = arith.constant 0 : i32
      %sub3A_300 = vector.broadcast %sub3A_299 : i32 to vector<16xi32>
      %sub3A_301 = arith.subi %get3A_298, %sub3A_300 : vector<16xi32>
      %ge3A_302 = arith.constant 0 : i32
      %ge3A_303 = vector.broadcast %ge3A_302 : i32 to vector<16xi32>
      %ge3A_304 = arith.cmpi sge, %sub3A_301, %ge3A_303 : vector<16xi32>
      %lt3A_305 = arith.constant 512 : i32
      %lt3A_306 = vector.broadcast %lt3A_305 : i32 to vector<16xi32>
      %lt3A_307 = arith.cmpi slt, %sub3A_301, %lt3A_306 : vector<16xi32>
      %and3A_308 = arith.andi %ge3A_304, %lt3A_307 : vector<16xi1>
      %jit3A_309 = arith.constant 0 : i32
      %broadcast_in_dim3A_310 = vector.broadcast %jit3A_309 : i32 to vector<16xi32>
      %select_n3A_311 = arith.select %and3A_308, %sub3A_301, %broadcast_in_dim3A_310 : vector<16xi1>, vector<16xi32>
      %mul3A_312 = arith.constant 16 : i32
      %mul3A_313 = arith.muli %scan3A_291, %mul3A_312 : i32
      %add3A_314 = vector.broadcast %mul3A_313 : i32 to vector<16xi32>
      %add3A_315 = arith.addi %iota3A, %add3A_314 : vector<16xi32>
      tpu.vector_store_idx %arg4[%select_n3A_311, %add3A_315], %broadcast_in_dim3A_1 masked %and3A_308 : memref<512x128xf32, #tpu.memory_space<vmem>>[vector<16xi32>, vector<16xi32>], vector<16xf32>, vector<16xi1>
      %scan3A_316 = arith.constant 8 : i32
      %mul3A_317 = arith.constant 20 : i32
      %mul3A_318 = arith.muli %add3A, %mul3A_317 : i32
      %add3A_319 = arith.addi %mul3A_318, %scan3A_115 : i32
      %jit3A_320 = arith.constant 32 : i32
      %div3A_321 = arith.divsi %add3A_319, %jit3A_320 : i32
      %sign3A_322 = arith.constant 0 : i32
      %sign3A_323 = arith.cmpi sgt, %add3A_319, %sign3A_322 : i32
      %sign3A_324 = arith.extui %sign3A_323 : i1 to i32
      %sign3A_325 = arith.constant 0 : i32
      %sign3A_326 = arith.cmpi slt, %add3A_319, %sign3A_325 : i32
      %sign3A_327 = arith.extui %sign3A_326 : i1 to i32
      %sign3A_328 = arith.subi %sign3A_324, %sign3A_327 : i32
      %sign3A_329 = arith.constant 0 : i32
      %sign3A_330 = arith.cmpi sgt, %jit3A_320, %sign3A_329 : i32
      %sign3A_331 = arith.extui %sign3A_330 : i1 to i32
      %sign3A_332 = arith.constant 0 : i32
      %sign3A_333 = arith.cmpi slt, %jit3A_320, %sign3A_332 : i32
      %sign3A_334 = arith.extui %sign3A_333 : i1 to i32
      %sign3A_335 = arith.subi %sign3A_331, %sign3A_334 : i32
      %ne3A_336 = arith.cmpi ne, %sign3A_328, %sign3A_335 : i32
      %rem3A_337 = arith.remsi %add3A_319, %jit3A_320 : i32
      %ne3A_338 = arith.constant 0 : i32
      %ne3A_339 = arith.cmpi ne, %rem3A_337, %ne3A_338 : i32
      %and3A_340 = arith.andi %ne3A_336, %ne3A_339 : i1
      %sub3A_341 = arith.constant 1 : i32
      %sub3A_342 = arith.subi %div3A_321, %sub3A_341 : i32
      %select_n3A_343 = arith.select %and3A_340, %sub3A_342, %div3A_321 : i32
      %jit3A_344 = arith.constant 32 : i32
      %eq3A_345 = arith.constant 0 : i32
      %eq3A_346 = arith.cmpi eq, %jit3A_344, %eq3A_345 : i32
      %jit3A_347 = arith.constant 1 : i32
      %select_n3A_348 = arith.select %eq3A_346, %jit3A_347, %jit3A_344 : i32
      %rem3A_349 = arith.remsi %add3A_319, %select_n3A_348 : i32
      %ne3A_350 = arith.constant 0 : i32
      %ne3A_351 = arith.cmpi ne, %rem3A_349, %ne3A_350 : i32
      %lt3A_352 = arith.constant 0 : i32
      %lt3A_353 = arith.cmpi slt, %rem3A_349, %lt3A_352 : i32
      %lt3A_354 = arith.constant 0 : i32
      %lt3A_355 = arith.cmpi slt, %select_n3A_348, %lt3A_354 : i32
      %ne3A_356 = arith.xori %lt3A_353, %lt3A_355 : i1
      %and3A_357 = arith.andi %ne3A_356, %ne3A_351 : i1
      %add3A_358 = arith.addi %rem3A_349, %select_n3A_348 : i32
      %select_n3A_359 = arith.select %and3A_357, %add3A_358, %rem3A_349 : i32
      %mul3A_360 = arith.constant 128 : i32
      %mul3A_361 = arith.muli %select_n3A_359, %mul3A_360 : i32
      %mul3A_362 = arith.constant 1000 : i32
      %mul3A_363 = arith.muli %select_n3A_343, %mul3A_362 : i32
      %add3A_364 = arith.constant 0 : i32
      %add3A_365 = arith.addi %mul3A_363, %add3A_364 : i32
      %dma_start3A = tpu.memref_slice %arg3[%add3A_365, %mul3A_361] : memref<20000x4096xf32, #tpu.memory_space<hbm>> -> memref<512x128xf32, #tpu.memory_space<hbm>>
      %dma_start3A_366 = tpu.memref_slice %arg3[%add3A_365, %mul3A_361] : memref<20000x4096xf32, #tpu.memory_space<hbm>> -> memref<512x128xf32, #tpu.memory_space<hbm>>
      tpu.enqueue_dma source(%arg4 : memref<512x128xf32, #tpu.memory_space<vmem>>) target(%dma_start3A_366 : memref<512x128xf32, #tpu.memory_space<hbm>>) target_semaphore(%arg7 : memref<!tpu.dma_semaphore, #tpu.memory_space<semaphore_mem>>)
      %gt3A_367 = arith.constant 0 : i32
      %gt3A_368 = arith.cmpi sgt, %scan3A_115, %gt3A_367 : i32
      %convert_element_type3A_369 = arith.extui %gt3A_368 : i1 to i32
      %cond3A_370 = arith.constant 0 : i32
      %cond3A_371 = arith.cmpi ne, %convert_element_type3A_369, %cond3A_370 : i32
      scf.if %cond3A_371 {
        %sub3A_624 = arith.constant 1 : i32
        %sub3A_625 = arith.subi %scan3A_115, %sub3A_624 : i32
        %mul3A_626 = arith.constant 20 : i32
        %mul3A_627 = arith.muli %add3A, %mul3A_626 : i32
        %add3A_628 = arith.addi %mul3A_627, %sub3A_625 : i32
        %jit3A_629 = arith.constant 32 : i32
        %div3A_630 = arith.divsi %add3A_628, %jit3A_629 : i32
        %sign3A_631 = arith.constant 0 : i32
        %sign3A_632 = arith.cmpi sgt, %add3A_628, %sign3A_631 : i32
        %sign3A_633 = arith.extui %sign3A_632 : i1 to i32
        %sign3A_634 = arith.constant 0 : i32
        %sign3A_635 = arith.cmpi slt, %add3A_628, %sign3A_634 : i32
        %sign3A_636 = arith.extui %sign3A_635 : i1 to i32
        %sign3A_637 = arith.subi %sign3A_633, %sign3A_636 : i32
        %sign3A_638 = arith.constant 0 : i32
        %sign3A_639 = arith.cmpi sgt, %jit3A_629, %sign3A_638 : i32
        %sign3A_640 = arith.extui %sign3A_639 : i1 to i32
        %sign3A_641 = arith.constant 0 : i32
        %sign3A_642 = arith.cmpi slt, %jit3A_629, %sign3A_641 : i32
        %sign3A_643 = arith.extui %sign3A_642 : i1 to i32
        %sign3A_644 = arith.subi %sign3A_640, %sign3A_643 : i32
        %ne3A_645 = arith.cmpi ne, %sign3A_637, %sign3A_644 : i32
        %rem3A_646 = arith.remsi %add3A_628, %jit3A_629 : i32
        %ne3A_647 = arith.constant 0 : i32
        %ne3A_648 = arith.cmpi ne, %rem3A_646, %ne3A_647 : i32
        %and3A_649 = arith.andi %ne3A_645, %ne3A_648 : i1
        %sub3A_650 = arith.constant 1 : i32
        %sub3A_651 = arith.subi %div3A_630, %sub3A_650 : i32
        %select_n3A_652 = arith.select %and3A_649, %sub3A_651, %div3A_630 : i32
        %jit3A_653 = arith.constant 32 : i32
        %eq3A_654 = arith.constant 0 : i32
        %eq3A_655 = arith.cmpi eq, %jit3A_653, %eq3A_654 : i32
        %jit3A_656 = arith.constant 1 : i32
        %select_n3A_657 = arith.select %eq3A_655, %jit3A_656, %jit3A_653 : i32
        %rem3A_658 = arith.remsi %add3A_628, %select_n3A_657 : i32
        %ne3A_659 = arith.constant 0 : i32
        %ne3A_660 = arith.cmpi ne, %rem3A_658, %ne3A_659 : i32
        %lt3A_661 = arith.constant 0 : i32
        %lt3A_662 = arith.cmpi slt, %rem3A_658, %lt3A_661 : i32
        %lt3A_663 = arith.constant 0 : i32
        %lt3A_664 = arith.cmpi slt, %select_n3A_657, %lt3A_663 : i32
        %ne3A_665 = arith.xori %lt3A_662, %lt3A_664 : i1
        %and3A_666 = arith.andi %ne3A_665, %ne3A_660 : i1
        %add3A_667 = arith.addi %rem3A_658, %select_n3A_657 : i32
        %select_n3A_668 = arith.select %and3A_666, %add3A_667, %rem3A_658 : i32
        %mul3A_669 = arith.constant 128 : i32
        %mul3A_670 = arith.muli %select_n3A_668, %mul3A_669 : i32
        %mul3A_671 = arith.constant 1000 : i32
        %mul3A_672 = arith.muli %select_n3A_652, %mul3A_671 : i32
        %add3A_673 = arith.constant 512 : i32
        %add3A_674 = arith.addi %mul3A_672, %add3A_673 : i32
        %dma_wait3A_675 = tpu.memref_slice %arg3[%add3A_674, %mul3A_670] : memref<20000x4096xf32, #tpu.memory_space<hbm>> -> memref<488x128xf32, #tpu.memory_space<hbm>>
        %dma_wait3A_676 = tpu.memref_slice %arg3[%add3A_674, %mul3A_670] : memref<20000x4096xf32, #tpu.memory_space<hbm>> -> memref<488x128xf32, #tpu.memory_space<hbm>>
        tpu.wait_dma2 semaphore(%arg8 : memref<!tpu.dma_semaphore, #tpu.memory_space<semaphore_mem>>) src(%arg5 : memref<488x128xf32, #tpu.memory_space<vmem>>) dst(%dma_wait3A_676 : memref<488x128xf32, #tpu.memory_space<hbm>>)
        %sub3A_677 = arith.constant 1 : i32
        %sub3A_678 = arith.subi %scan3A_115, %sub3A_677 : i32
        %scan3A_679 = arith.constant 0 : i32
        %mul3A_680 = arith.constant 128 : i32
        %mul3A_681 = arith.muli %sub3A_678, %mul3A_680 : i32
        %mul3A_682 = arith.constant 16 : i32
        %mul3A_683 = arith.muli %scan3A_679, %mul3A_682 : i32
        %add3A_684 = arith.addi %mul3A_681, %mul3A_683 : i32
        %get3A_685 = arith.index_cast %add3A_684 : i32 to index
        %get3A_686 = tpu.vector_load %arg6[%get3A_685] {strides = array<i32>} : memref<2560xi32, #tpu.memory_space<vmem>>, vector<16xi32>,
        %sub3A_687 = arith.constant 512 : i32
        %sub3A_688 = vector.broadcast %sub3A_687 : i32 to vector<16xi32>
        %sub3A_689 = arith.subi %get3A_686, %sub3A_688 : vector<16xi32>
        %ge3A_690 = arith.constant 0 : i32
        %ge3A_691 = vector.broadcast %ge3A_690 : i32 to vector<16xi32>
        %ge3A_692 = arith.cmpi sge, %sub3A_689, %ge3A_691 : vector<16xi32>
        %lt3A_693 = arith.constant 488 : i32
        %lt3A_694 = vector.broadcast %lt3A_693 : i32 to vector<16xi32>
        %lt3A_695 = arith.cmpi slt, %sub3A_689, %lt3A_694 : vector<16xi32>
        %and3A_696 = arith.andi %ge3A_692, %lt3A_695 : vector<16xi1>
        %jit3A_697 = arith.constant 0 : i32
        %broadcast_in_dim3A_698 = vector.broadcast %jit3A_697 : i32 to vector<16xi32>
        %select_n3A_699 = arith.select %and3A_696, %sub3A_689, %broadcast_in_dim3A_698 : vector<16xi1>, vector<16xi32>
        %mul3A_700 = arith.constant 16 : i32
        %mul3A_701 = arith.muli %scan3A_679, %mul3A_700 : i32
        %add3A_702 = vector.broadcast %mul3A_701 : i32 to vector<16xi32>
        %add3A_703 = arith.addi %iota3A, %add3A_702 : vector<16xi32>
        tpu.vector_store_idx %arg5[%select_n3A_699, %add3A_703], %broadcast_in_dim3A_3 masked %and3A_696 : memref<488x128xf32, #tpu.memory_space<vmem>>[vector<16xi32>, vector<16xi32>], vector<16xf32>, vector<16xi1>
        %scan3A_704 = arith.constant 1 : i32
        %mul3A_705 = arith.constant 128 : i32
        %mul3A_706 = arith.muli %sub3A_678, %mul3A_705 : i32
        %mul3A_707 = arith.constant 16 : i32
        %mul3A_708 = arith.muli %scan3A_704, %mul3A_707 : i32
        %add3A_709 = arith.addi %mul3A_706, %mul3A_708 : i32
        %get3A_710 = arith.index_cast %add3A_709 : i32 to index
        %get3A_711 = tpu.vector_load %arg6[%get3A_710] {strides = array<i32>} : memref<2560xi32, #tpu.memory_space<vmem>>, vector<16xi32>,
        %sub3A_712 = arith.constant 512 : i32
        %sub3A_713 = vector.broadcast %sub3A_712 : i32 to vector<16xi32>
        %sub3A_714 = arith.subi %get3A_711, %sub3A_713 : vector<16xi32>
        %ge3A_715 = arith.constant 0 : i32
        %ge3A_716 = vector.broadcast %ge3A_715 : i32 to vector<16xi32>
        %ge3A_717 = arith.cmpi sge, %sub3A_714, %ge3A_716 : vector<16xi32>
        %lt3A_718 = arith.constant 488 : i32
        %lt3A_719 = vector.broadcast %lt3A_718 : i32 to vector<16xi32>
        %lt3A_720 = arith.cmpi slt, %sub3A_714, %lt3A_719 : vector<16xi32>
        %and3A_721 = arith.andi %ge3A_717, %lt3A_720 : vector<16xi1>
        %jit3A_722 = arith.constant 0 : i32
        %broadcast_in_dim3A_723 = vector.broadcast %jit3A_722 : i32 to vector<16xi32>
        %select_n3A_724 = arith.select %and3A_721, %sub3A_714, %broadcast_in_dim3A_723 : vector<16xi1>, vector<16xi32>
        %mul3A_725 = arith.constant 16 : i32
        %mul3A_726 = arith.muli %scan3A_704, %mul3A_725 : i32
        %add3A_727 = vector.broadcast %mul3A_726 : i32 to vector<16xi32>
        %add3A_728 = arith.addi %iota3A, %add3A_727 : vector<16xi32>
        tpu.vector_store_idx %arg5[%select_n3A_724, %add3A_728], %broadcast_in_dim3A_3 masked %and3A_721 : memref<488x128xf32, #tpu.memory_space<vmem>>[vector<16xi32>, vector<16xi32>], vector<16xf32>, vector<16xi1>
        %scan3A_729 = arith.constant 2 : i32
        %mul3A_730 = arith.constant 128 : i32
        %mul3A_731 = arith.muli %sub3A_678, %mul3A_730 : i32
        %mul3A_732 = arith.constant 16 : i32
        %mul3A_733 = arith.muli %scan3A_729, %mul3A_732 : i32
        %add3A_734 = arith.addi %mul3A_731, %mul3A_733 : i32
        %get3A_735 = arith.index_cast %add3A_734 : i32 to index
        %get3A_736 = tpu.vector_load %arg6[%get3A_735] {strides = array<i32>} : memref<2560xi32, #tpu.memory_space<vmem>>, vector<16xi32>,
        %sub3A_737 = arith.constant 512 : i32
        %sub3A_738 = vector.broadcast %sub3A_737 : i32 to vector<16xi32>
        %sub3A_739 = arith.subi %get3A_736, %sub3A_738 : vector<16xi32>
        %ge3A_740 = arith.constant 0 : i32
        %ge3A_741 = vector.broadcast %ge3A_740 : i32 to vector<16xi32>
        %ge3A_742 = arith.cmpi sge, %sub3A_739, %ge3A_741 : vector<16xi32>
        %lt3A_743 = arith.constant 488 : i32
        %lt3A_744 = vector.broadcast %lt3A_743 : i32 to vector<16xi32>
        %lt3A_745 = arith.cmpi slt, %sub3A_739, %lt3A_744 : vector<16xi32>
        %and3A_746 = arith.andi %ge3A_742, %lt3A_745 : vector<16xi1>
        %jit3A_747 = arith.constant 0 : i32
        %broadcast_in_dim3A_748 = vector.broadcast %jit3A_747 : i32 to vector<16xi32>
        %select_n3A_749 = arith.select %and3A_746, %sub3A_739, %broadcast_in_dim3A_748 : vector<16xi1>, vector<16xi32>
        %mul3A_750 = arith.constant 16 : i32
        %mul3A_751 = arith.muli %scan3A_729, %mul3A_750 : i32
        %add3A_752 = vector.broadcast %mul3A_751 : i32 to vector<16xi32>
        %add3A_753 = arith.addi %iota3A, %add3A_752 : vector<16xi32>
        tpu.vector_store_idx %arg5[%select_n3A_749, %add3A_753], %broadcast_in_dim3A_3 masked %and3A_746 : memref<488x128xf32, #tpu.memory_space<vmem>>[vector<16xi32>, vector<16xi32>], vector<16xf32>, vector<16xi1>
        %scan3A_754 = arith.constant 3 : i32
        %mul3A_755 = arith.constant 128 : i32
        %mul3A_756 = arith.muli %sub3A_678, %mul3A_755 : i32
        %mul3A_757 = arith.constant 16 : i32
        %mul3A_758 = arith.muli %scan3A_754, %mul3A_757 : i32
        %add3A_759 = arith.addi %mul3A_756, %mul3A_758 : i32
        %get3A_760 = arith.index_cast %add3A_759 : i32 to index
        %get3A_761 = tpu.vector_load %arg6[%get3A_760] {strides = array<i32>} : memref<2560xi32, #tpu.memory_space<vmem>>, vector<16xi32>,
        %sub3A_762 = arith.constant 512 : i32
        %sub3A_763 = vector.broadcast %sub3A_762 : i32 to vector<16xi32>
        %sub3A_764 = arith.subi %get3A_761, %sub3A_763 : vector<16xi32>
        %ge3A_765 = arith.constant 0 : i32
        %ge3A_766 = vector.broadcast %ge3A_765 : i32 to vector<16xi32>
        %ge3A_767 = arith.cmpi sge, %sub3A_764, %ge3A_766 : vector<16xi32>
        %lt3A_768 = arith.constant 488 : i32
        %lt3A_769 = vector.broadcast %lt3A_768 : i32 to vector<16xi32>
        %lt3A_770 = arith.cmpi slt, %sub3A_764, %lt3A_769 : vector<16xi32>
        %and3A_771 = arith.andi %ge3A_767, %lt3A_770 : vector<16xi1>
        %jit3A_772 = arith.constant 0 : i32
        %broadcast_in_dim3A_773 = vector.broadcast %jit3A_772 : i32 to vector<16xi32>
        %select_n3A_774 = arith.select %and3A_771, %sub3A_764, %broadcast_in_dim3A_773 : vector<16xi1>, vector<16xi32>
        %mul3A_775 = arith.constant 16 : i32
        %mul3A_776 = arith.muli %scan3A_754, %mul3A_775 : i32
        %add3A_777 = vector.broadcast %mul3A_776 : i32 to vector<16xi32>
        %add3A_778 = arith.addi %iota3A, %add3A_777 : vector<16xi32>
        tpu.vector_store_idx %arg5[%select_n3A_774, %add3A_778], %broadcast_in_dim3A_3 masked %and3A_771 : memref<488x128xf32, #tpu.memory_space<vmem>>[vector<16xi32>, vector<16xi32>], vector<16xf32>, vector<16xi1>
        %scan3A_779 = arith.constant 4 : i32
        %mul3A_780 = arith.constant 128 : i32
        %mul3A_781 = arith.muli %sub3A_678, %mul3A_780 : i32
        %mul3A_782 = arith.constant 16 : i32
        %mul3A_783 = arith.muli %scan3A_779, %mul3A_782 : i32
        %add3A_784 = arith.addi %mul3A_781, %mul3A_783 : i32
        %get3A_785 = arith.index_cast %add3A_784 : i32 to index
        %get3A_786 = tpu.vector_load %arg6[%get3A_785] {strides = array<i32>} : memref<2560xi32, #tpu.memory_space<vmem>>, vector<16xi32>,
        %sub3A_787 = arith.constant 512 : i32
        %sub3A_788 = vector.broadcast %sub3A_787 : i32 to vector<16xi32>
        %sub3A_789 = arith.subi %get3A_786, %sub3A_788 : vector<16xi32>
        %ge3A_790 = arith.constant 0 : i32
        %ge3A_791 = vector.broadcast %ge3A_790 : i32 to vector<16xi32>
        %ge3A_792 = arith.cmpi sge, %sub3A_789, %ge3A_791 : vector<16xi32>
        %lt3A_793 = arith.constant 488 : i32
        %lt3A_794 = vector.broadcast %lt3A_793 : i32 to vector<16xi32>
        %lt3A_795 = arith.cmpi slt, %sub3A_789, %lt3A_794 : vector<16xi32>
        %and3A_796 = arith.andi %ge3A_792, %lt3A_795 : vector<16xi1>
        %jit3A_797 = arith.constant 0 : i32
        %broadcast_in_dim3A_798 = vector.broadcast %jit3A_797 : i32 to vector<16xi32>
        %select_n3A_799 = arith.select %and3A_796, %sub3A_789, %broadcast_in_dim3A_798 : vector<16xi1>, vector<16xi32>
        %mul3A_800 = arith.constant 16 : i32
        %mul3A_801 = arith.muli %scan3A_779, %mul3A_800 : i32
        %add3A_802 = vector.broadcast %mul3A_801 : i32 to vector<16xi32>
        %add3A_803 = arith.addi %iota3A, %add3A_802 : vector<16xi32>
        tpu.vector_store_idx %arg5[%select_n3A_799, %add3A_803], %broadcast_in_dim3A_3 masked %and3A_796 : memref<488x128xf32, #tpu.memory_space<vmem>>[vector<16xi32>, vector<16xi32>], vector<16xf32>, vector<16xi1>
        %scan3A_804 = arith.constant 5 : i32
        %mul3A_805 = arith.constant 128 : i32
        %mul3A_806 = arith.muli %sub3A_678, %mul3A_805 : i32
        %mul3A_807 = arith.constant 16 : i32
        %mul3A_808 = arith.muli %scan3A_804, %mul3A_807 : i32
        %add3A_809 = arith.addi %mul3A_806, %mul3A_808 : i32
        %get3A_810 = arith.index_cast %add3A_809 : i32 to index
        %get3A_811 = tpu.vector_load %arg6[%get3A_810] {strides = array<i32>} : memref<2560xi32, #tpu.memory_space<vmem>>, vector<16xi32>,
        %sub3A_812 = arith.constant 512 : i32
        %sub3A_813 = vector.broadcast %sub3A_812 : i32 to vector<16xi32>
        %sub3A_814 = arith.subi %get3A_811, %sub3A_813 : vector<16xi32>
        %ge3A_815 = arith.constant 0 : i32
        %ge3A_816 = vector.broadcast %ge3A_815 : i32 to vector<16xi32>
        %ge3A_817 = arith.cmpi sge, %sub3A_814, %ge3A_816 : vector<16xi32>
        %lt3A_818 = arith.constant 488 : i32
        %lt3A_819 = vector.broadcast %lt3A_818 : i32 to vector<16xi32>
        %lt3A_820 = arith.cmpi slt, %sub3A_814, %lt3A_819 : vector<16xi32>
        %and3A_821 = arith.andi %ge3A_817, %lt3A_820 : vector<16xi1>
        %jit3A_822 = arith.constant 0 : i32
        %broadcast_in_dim3A_823 = vector.broadcast %jit3A_822 : i32 to vector<16xi32>
        %select_n3A_824 = arith.select %and3A_821, %sub3A_814, %broadcast_in_dim3A_823 : vector<16xi1>, vector<16xi32>
        %mul3A_825 = arith.constant 16 : i32
        %mul3A_826 = arith.muli %scan3A_804, %mul3A_825 : i32
        %add3A_827 = vector.broadcast %mul3A_826 : i32 to vector<16xi32>
        %add3A_828 = arith.addi %iota3A, %add3A_827 : vector<16xi32>
        tpu.vector_store_idx %arg5[%select_n3A_824, %add3A_828], %broadcast_in_dim3A_3 masked %and3A_821 : memref<488x128xf32, #tpu.memory_space<vmem>>[vector<16xi32>, vector<16xi32>], vector<16xf32>, vector<16xi1>
        %scan3A_829 = arith.constant 6 : i32
        %mul3A_830 = arith.constant 128 : i32
        %mul3A_831 = arith.muli %sub3A_678, %mul3A_830 : i32
        %mul3A_832 = arith.constant 16 : i32
        %mul3A_833 = arith.muli %scan3A_829, %mul3A_832 : i32
        %add3A_834 = arith.addi %mul3A_831, %mul3A_833 : i32
        %get3A_835 = arith.index_cast %add3A_834 : i32 to index
        %get3A_836 = tpu.vector_load %arg6[%get3A_835] {strides = array<i32>} : memref<2560xi32, #tpu.memory_space<vmem>>, vector<16xi32>,
        %sub3A_837 = arith.constant 512 : i32
        %sub3A_838 = vector.broadcast %sub3A_837 : i32 to vector<16xi32>
        %sub3A_839 = arith.subi %get3A_836, %sub3A_838 : vector<16xi32>
        %ge3A_840 = arith.constant 0 : i32
        %ge3A_841 = vector.broadcast %ge3A_840 : i32 to vector<16xi32>
        %ge3A_842 = arith.cmpi sge, %sub3A_839, %ge3A_841 : vector<16xi32>
        %lt3A_843 = arith.constant 488 : i32
        %lt3A_844 = vector.broadcast %lt3A_843 : i32 to vector<16xi32>
        %lt3A_845 = arith.cmpi slt, %sub3A_839, %lt3A_844 : vector<16xi32>
        %and3A_846 = arith.andi %ge3A_842, %lt3A_845 : vector<16xi1>
        %jit3A_847 = arith.constant 0 : i32
        %broadcast_in_dim3A_848 = vector.broadcast %jit3A_847 : i32 to vector<16xi32>
        %select_n3A_849 = arith.select %and3A_846, %sub3A_839, %broadcast_in_dim3A_848 : vector<16xi1>, vector<16xi32>
        %mul3A_850 = arith.constant 16 : i32
        %mul3A_851 = arith.muli %scan3A_829, %mul3A_850 : i32
        %add3A_852 = vector.broadcast %mul3A_851 : i32 to vector<16xi32>
        %add3A_853 = arith.addi %iota3A, %add3A_852 : vector<16xi32>
        tpu.vector_store_idx %arg5[%select_n3A_849, %add3A_853], %broadcast_in_dim3A_3 masked %and3A_846 : memref<488x128xf32, #tpu.memory_space<vmem>>[vector<16xi32>, vector<16xi32>], vector<16xf32>, vector<16xi1>
        %scan3A_854 = arith.constant 7 : i32
        %mul3A_855 = arith.constant 128 : i32
        %mul3A_856 = arith.muli %sub3A_678, %mul3A_855 : i32
        %mul3A_857 = arith.constant 16 : i32
        %mul3A_858 = arith.muli %scan3A_854, %mul3A_857 : i32
        %add3A_859 = arith.addi %mul3A_856, %mul3A_858 : i32
        %get3A_860 = arith.index_cast %add3A_859 : i32 to index
        %get3A_861 = tpu.vector_load %arg6[%get3A_860] {strides = array<i32>} : memref<2560xi32, #tpu.memory_space<vmem>>, vector<16xi32>,
        %sub3A_862 = arith.constant 512 : i32
        %sub3A_863 = vector.broadcast %sub3A_862 : i32 to vector<16xi32>
        %sub3A_864 = arith.subi %get3A_861, %sub3A_863 : vector<16xi32>
        %ge3A_865 = arith.constant 0 : i32
        %ge3A_866 = vector.broadcast %ge3A_865 : i32 to vector<16xi32>
        %ge3A_867 = arith.cmpi sge, %sub3A_864, %ge3A_866 : vector<16xi32>
        %lt3A_868 = arith.constant 488 : i32
        %lt3A_869 = vector.broadcast %lt3A_868 : i32 to vector<16xi32>
        %lt3A_870 = arith.cmpi slt, %sub3A_864, %lt3A_869 : vector<16xi32>
        %and3A_871 = arith.andi %ge3A_867, %lt3A_870 : vector<16xi1>
        %jit3A_872 = arith.constant 0 : i32
        %broadcast_in_dim3A_873 = vector.broadcast %jit3A_872 : i32 to vector<16xi32>
        %select_n3A_874 = arith.select %and3A_871, %sub3A_864, %broadcast_in_dim3A_873 : vector<16xi1>, vector<16xi32>
        %mul3A_875 = arith.constant 16 : i32
        %mul3A_876 = arith.muli %scan3A_854, %mul3A_875 : i32
        %add3A_877 = vector.broadcast %mul3A_876 : i32 to vector<16xi32>
        %add3A_878 = arith.addi %iota3A, %add3A_877 : vector<16xi32>
        tpu.vector_store_idx %arg5[%select_n3A_874, %add3A_878], %broadcast_in_dim3A_3 masked %and3A_871 : memref<488x128xf32, #tpu.memory_space<vmem>>[vector<16xi32>, vector<16xi32>], vector<16xf32>, vector<16xi1>
        %scan3A_879 = arith.constant 8 : i32
      } else {
      }
      %scan3A_372 = arith.constant 0 : i32
      %mul3A_373 = arith.constant 128 : i32
      %mul3A_374 = arith.muli %scan3A_115, %mul3A_373 : i32
      %mul3A_375 = arith.constant 16 : i32
      %mul3A_376 = arith.muli %scan3A_372, %mul3A_375 : i32
      %add3A_377 = arith.addi %mul3A_374, %mul3A_376 : i32
      %get3A_378 = arith.index_cast %add3A_377 : i32 to index
      %get3A_379 = tpu.vector_load %arg6[%get3A_378] {strides = array<i32>} : memref<2560xi32, #tpu.memory_space<vmem>>, vector<16xi32>,
      %sub3A_380 = arith.constant 512 : i32
      %sub3A_381 = vector.broadcast %sub3A_380 : i32 to vector<16xi32>
      %sub3A_382 = arith.subi %get3A_379, %sub3A_381 : vector<16xi32>
      %ge3A_383 = arith.constant 0 : i32
      %ge3A_384 = vector.broadcast %ge3A_383 : i32 to vector<16xi32>
      %ge3A_385 = arith.cmpi sge, %sub3A_382, %ge3A_384 : vector<16xi32>
      %lt3A_386 = arith.constant 488 : i32
      %lt3A_387 = vector.broadcast %lt3A_386 : i32 to vector<16xi32>
      %lt3A_388 = arith.cmpi slt, %sub3A_382, %lt3A_387 : vector<16xi32>
      %and3A_389 = arith.andi %ge3A_385, %lt3A_388 : vector<16xi1>
      %jit3A_390 = arith.constant 0 : i32
      %broadcast_in_dim3A_391 = vector.broadcast %jit3A_390 : i32 to vector<16xi32>
      %select_n3A_392 = arith.select %and3A_389, %sub3A_382, %broadcast_in_dim3A_391 : vector<16xi1>, vector<16xi32>
      %mul3A_393 = arith.constant 16 : i32
      %mul3A_394 = arith.muli %scan3A_372, %mul3A_393 : i32
      %add3A_395 = vector.broadcast %mul3A_394 : i32 to vector<16xi32>
      %add3A_396 = arith.addi %iota3A, %add3A_395 : vector<16xi32>
      tpu.vector_store_idx %arg5[%select_n3A_392, %add3A_396], %broadcast_in_dim3A_1 masked %and3A_389 : memref<488x128xf32, #tpu.memory_space<vmem>>[vector<16xi32>, vector<16xi32>], vector<16xf32>, vector<16xi1>
      %scan3A_397 = arith.constant 1 : i32
      %mul3A_398 = arith.constant 128 : i32
      %mul3A_399 = arith.muli %scan3A_115, %mul3A_398 : i32
      %mul3A_400 = arith.constant 16 : i32
      %mul3A_401 = arith.muli %scan3A_397, %mul3A_400 : i32
      %add3A_402 = arith.addi %mul3A_399, %mul3A_401 : i32
      %get3A_403 = arith.index_cast %add3A_402 : i32 to index
      %get3A_404 = tpu.vector_load %arg6[%get3A_403] {strides = array<i32>} : memref<2560xi32, #tpu.memory_space<vmem>>, vector<16xi32>,
      %sub3A_405 = arith.constant 512 : i32
      %sub3A_406 = vector.broadcast %sub3A_405 : i32 to vector<16xi32>
      %sub3A_407 = arith.subi %get3A_404, %sub3A_406 : vector<16xi32>
      %ge3A_408 = arith.constant 0 : i32
      %ge3A_409 = vector.broadcast %ge3A_408 : i32 to vector<16xi32>
      %ge3A_410 = arith.cmpi sge, %sub3A_407, %ge3A_409 : vector<16xi32>
      %lt3A_411 = arith.constant 488 : i32
      %lt3A_412 = vector.broadcast %lt3A_411 : i32 to vector<16xi32>
      %lt3A_413 = arith.cmpi slt, %sub3A_407, %lt3A_412 : vector<16xi32>
      %and3A_414 = arith.andi %ge3A_410, %lt3A_413 : vector<16xi1>
      %jit3A_415 = arith.constant 0 : i32
      %broadcast_in_dim3A_416 = vector.broadcast %jit3A_415 : i32 to vector<16xi32>
      %select_n3A_417 = arith.select %and3A_414, %sub3A_407, %broadcast_in_dim3A_416 : vector<16xi1>, vector<16xi32>
      %mul3A_418 = arith.constant 16 : i32
      %mul3A_419 = arith.muli %scan3A_397, %mul3A_418 : i32
      %add3A_420 = vector.broadcast %mul3A_419 : i32 to vector<16xi32>
      %add3A_421 = arith.addi %iota3A, %add3A_420 : vector<16xi32>
      tpu.vector_store_idx %arg5[%select_n3A_417, %add3A_421], %broadcast_in_dim3A_1 masked %and3A_414 : memref<488x128xf32, #tpu.memory_space<vmem>>[vector<16xi32>, vector<16xi32>], vector<16xf32>, vector<16xi1>
      %scan3A_422 = arith.constant 2 : i32
      %mul3A_423 = arith.constant 128 : i32
      %mul3A_424 = arith.muli %scan3A_115, %mul3A_423 : i32
      %mul3A_425 = arith.constant 16 : i32
      %mul3A_426 = arith.muli %scan3A_422, %mul3A_425 : i32
      %add3A_427 = arith.addi %mul3A_424, %mul3A_426 : i32
      %get3A_428 = arith.index_cast %add3A_427 : i32 to index
      %get3A_429 = tpu.vector_load %arg6[%get3A_428] {strides = array<i32>} : memref<2560xi32, #tpu.memory_space<vmem>>, vector<16xi32>,
      %sub3A_430 = arith.constant 512 : i32
      %sub3A_431 = vector.broadcast %sub3A_430 : i32 to vector<16xi32>
      %sub3A_432 = arith.subi %get3A_429, %sub3A_431 : vector<16xi32>
      %ge3A_433 = arith.constant 0 : i32
      %ge3A_434 = vector.broadcast %ge3A_433 : i32 to vector<16xi32>
      %ge3A_435 = arith.cmpi sge, %sub3A_432, %ge3A_434 : vector<16xi32>
      %lt3A_436 = arith.constant 488 : i32
      %lt3A_437 = vector.broadcast %lt3A_436 : i32 to vector<16xi32>
      %lt3A_438 = arith.cmpi slt, %sub3A_432, %lt3A_437 : vector<16xi32>
      %and3A_439 = arith.andi %ge3A_435, %lt3A_438 : vector<16xi1>
      %jit3A_440 = arith.constant 0 : i32
      %broadcast_in_dim3A_441 = vector.broadcast %jit3A_440 : i32 to vector<16xi32>
      %select_n3A_442 = arith.select %and3A_439, %sub3A_432, %broadcast_in_dim3A_441 : vector<16xi1>, vector<16xi32>
      %mul3A_443 = arith.constant 16 : i32
      %mul3A_444 = arith.muli %scan3A_422, %mul3A_443 : i32
      %add3A_445 = vector.broadcast %mul3A_444 : i32 to vector<16xi32>
      %add3A_446 = arith.addi %iota3A, %add3A_445 : vector<16xi32>
      tpu.vector_store_idx %arg5[%select_n3A_442, %add3A_446], %broadcast_in_dim3A_1 masked %and3A_439 : memref<488x128xf32, #tpu.memory_space<vmem>>[vector<16xi32>, vector<16xi32>], vector<16xf32>, vector<16xi1>
      %scan3A_447 = arith.constant 3 : i32
      %mul3A_448 = arith.constant 128 : i32
      %mul3A_449 = arith.muli %scan3A_115, %mul3A_448 : i32
      %mul3A_450 = arith.constant 16 : i32
      %mul3A_451 = arith.muli %scan3A_447, %mul3A_450 : i32
      %add3A_452 = arith.addi %mul3A_449, %mul3A_451 : i32
      %get3A_453 = arith.index_cast %add3A_452 : i32 to index
      %get3A_454 = tpu.vector_load %arg6[%get3A_453] {strides = array<i32>} : memref<2560xi32, #tpu.memory_space<vmem>>, vector<16xi32>,
      %sub3A_455 = arith.constant 512 : i32
      %sub3A_456 = vector.broadcast %sub3A_455 : i32 to vector<16xi32>
      %sub3A_457 = arith.subi %get3A_454, %sub3A_456 : vector<16xi32>
      %ge3A_458 = arith.constant 0 : i32
      %ge3A_459 = vector.broadcast %ge3A_458 : i32 to vector<16xi32>
      %ge3A_460 = arith.cmpi sge, %sub3A_457, %ge3A_459 : vector<16xi32>
      %lt3A_461 = arith.constant 488 : i32
      %lt3A_462 = vector.broadcast %lt3A_461 : i32 to vector<16xi32>
      %lt3A_463 = arith.cmpi slt, %sub3A_457, %lt3A_462 : vector<16xi32>
      %and3A_464 = arith.andi %ge3A_460, %lt3A_463 : vector<16xi1>
      %jit3A_465 = arith.constant 0 : i32
      %broadcast_in_dim3A_466 = vector.broadcast %jit3A_465 : i32 to vector<16xi32>
      %select_n3A_467 = arith.select %and3A_464, %sub3A_457, %broadcast_in_dim3A_466 : vector<16xi1>, vector<16xi32>
      %mul3A_468 = arith.constant 16 : i32
      %mul3A_469 = arith.muli %scan3A_447, %mul3A_468 : i32
      %add3A_470 = vector.broadcast %mul3A_469 : i32 to vector<16xi32>
      %add3A_471 = arith.addi %iota3A, %add3A_470 : vector<16xi32>
      tpu.vector_store_idx %arg5[%select_n3A_467, %add3A_471], %broadcast_in_dim3A_1 masked %and3A_464 : memref<488x128xf32, #tpu.memory_space<vmem>>[vector<16xi32>, vector<16xi32>], vector<16xf32>, vector<16xi1>
      %scan3A_472 = arith.constant 4 : i32
      %mul3A_473 = arith.constant 128 : i32
      %mul3A_474 = arith.muli %scan3A_115, %mul3A_473 : i32
      %mul3A_475 = arith.constant 16 : i32
      %mul3A_476 = arith.muli %scan3A_472, %mul3A_475 : i32
      %add3A_477 = arith.addi %mul3A_474, %mul3A_476 : i32
      %get3A_478 = arith.index_cast %add3A_477 : i32 to index
      %get3A_479 = tpu.vector_load %arg6[%get3A_478] {strides = array<i32>} : memref<2560xi32, #tpu.memory_space<vmem>>, vector<16xi32>,
      %sub3A_480 = arith.constant 512 : i32
      %sub3A_481 = vector.broadcast %sub3A_480 : i32 to vector<16xi32>
      %sub3A_482 = arith.subi %get3A_479, %sub3A_481 : vector<16xi32>
      %ge3A_483 = arith.constant 0 : i32
      %ge3A_484 = vector.broadcast %ge3A_483 : i32 to vector<16xi32>
      %ge3A_485 = arith.cmpi sge, %sub3A_482, %ge3A_484 : vector<16xi32>
      %lt3A_486 = arith.constant 488 : i32
      %lt3A_487 = vector.broadcast %lt3A_486 : i32 to vector<16xi32>
      %lt3A_488 = arith.cmpi slt, %sub3A_482, %lt3A_487 : vector<16xi32>
      %and3A_489 = arith.andi %ge3A_485, %lt3A_488 : vector<16xi1>
      %jit3A_490 = arith.constant 0 : i32
      %broadcast_in_dim3A_491 = vector.broadcast %jit3A_490 : i32 to vector<16xi32>
      %select_n3A_492 = arith.select %and3A_489, %sub3A_482, %broadcast_in_dim3A_491 : vector<16xi1>, vector<16xi32>
      %mul3A_493 = arith.constant 16 : i32
      %mul3A_494 = arith.muli %scan3A_472, %mul3A_493 : i32
      %add3A_495 = vector.broadcast %mul3A_494 : i32 to vector<16xi32>
      %add3A_496 = arith.addi %iota3A, %add3A_495 : vector<16xi32>
      tpu.vector_store_idx %arg5[%select_n3A_492, %add3A_496], %broadcast_in_dim3A_1 masked %and3A_489 : memref<488x128xf32, #tpu.memory_space<vmem>>[vector<16xi32>, vector<16xi32>], vector<16xf32>, vector<16xi1>
      %scan3A_497 = arith.constant 5 : i32
      %mul3A_498 = arith.constant 128 : i32
      %mul3A_499 = arith.muli %scan3A_115, %mul3A_498 : i32
      %mul3A_500 = arith.constant 16 : i32
      %mul3A_501 = arith.muli %scan3A_497, %mul3A_500 : i32
      %add3A_502 = arith.addi %mul3A_499, %mul3A_501 : i32
      %get3A_503 = arith.index_cast %add3A_502 : i32 to index
      %get3A_504 = tpu.vector_load %arg6[%get3A_503] {strides = array<i32>} : memref<2560xi32, #tpu.memory_space<vmem>>, vector<16xi32>,
      %sub3A_505 = arith.constant 512 : i32
      %sub3A_506 = vector.broadcast %sub3A_505 : i32 to vector<16xi32>
      %sub3A_507 = arith.subi %get3A_504, %sub3A_506 : vector<16xi32>
      %ge3A_508 = arith.constant 0 : i32
      %ge3A_509 = vector.broadcast %ge3A_508 : i32 to vector<16xi32>
      %ge3A_510 = arith.cmpi sge, %sub3A_507, %ge3A_509 : vector<16xi32>
      %lt3A_511 = arith.constant 488 : i32
      %lt3A_512 = vector.broadcast %lt3A_511 : i32 to vector<16xi32>
      %lt3A_513 = arith.cmpi slt, %sub3A_507, %lt3A_512 : vector<16xi32>
      %and3A_514 = arith.andi %ge3A_510, %lt3A_513 : vector<16xi1>
      %jit3A_515 = arith.constant 0 : i32
      %broadcast_in_dim3A_516 = vector.broadcast %jit3A_515 : i32 to vector<16xi32>
      %select_n3A_517 = arith.select %and3A_514, %sub3A_507, %broadcast_in_dim3A_516 : vector<16xi1>, vector<16xi32>
      %mul3A_518 = arith.constant 16 : i32
      %mul3A_519 = arith.muli %scan3A_497, %mul3A_518 : i32
      %add3A_520 = vector.broadcast %mul3A_519 : i32 to vector<16xi32>
      %add3A_521 = arith.addi %iota3A, %add3A_520 : vector<16xi32>
      tpu.vector_store_idx %arg5[%select_n3A_517, %add3A_521], %broadcast_in_dim3A_1 masked %and3A_514 : memref<488x128xf32, #tpu.memory_space<vmem>>[vector<16xi32>, vector<16xi32>], vector<16xf32>, vector<16xi1>
      %scan3A_522 = arith.constant 6 : i32
      %mul3A_523 = arith.constant 128 : i32
      %mul3A_524 = arith.muli %scan3A_115, %mul3A_523 : i32
      %mul3A_525 = arith.constant 16 : i32
      %mul3A_526 = arith.muli %scan3A_522, %mul3A_525 : i32
      %add3A_527 = arith.addi %mul3A_524, %mul3A_526 : i32
      %get3A_528 = arith.index_cast %add3A_527 : i32 to index
      %get3A_529 = tpu.vector_load %arg6[%get3A_528] {strides = array<i32>} : memref<2560xi32, #tpu.memory_space<vmem>>, vector<16xi32>,
      %sub3A_530 = arith.constant 512 : i32
      %sub3A_531 = vector.broadcast %sub3A_530 : i32 to vector<16xi32>
      %sub3A_532 = arith.subi %get3A_529, %sub3A_531 : vector<16xi32>
      %ge3A_533 = arith.constant 0 : i32
      %ge3A_534 = vector.broadcast %ge3A_533 : i32 to vector<16xi32>
      %ge3A_535 = arith.cmpi sge, %sub3A_532, %ge3A_534 : vector<16xi32>
      %lt3A_536 = arith.constant 488 : i32
      %lt3A_537 = vector.broadcast %lt3A_536 : i32 to vector<16xi32>
      %lt3A_538 = arith.cmpi slt, %sub3A_532, %lt3A_537 : vector<16xi32>
      %and3A_539 = arith.andi %ge3A_535, %lt3A_538 : vector<16xi1>
      %jit3A_540 = arith.constant 0 : i32
      %broadcast_in_dim3A_541 = vector.broadcast %jit3A_540 : i32 to vector<16xi32>
      %select_n3A_542 = arith.select %and3A_539, %sub3A_532, %broadcast_in_dim3A_541 : vector<16xi1>, vector<16xi32>
      %mul3A_543 = arith.constant 16 : i32
      %mul3A_544 = arith.muli %scan3A_522, %mul3A_543 : i32
      %add3A_545 = vector.broadcast %mul3A_544 : i32 to vector<16xi32>
      %add3A_546 = arith.addi %iota3A, %add3A_545 : vector<16xi32>
      tpu.vector_store_idx %arg5[%select_n3A_542, %add3A_546], %broadcast_in_dim3A_1 masked %and3A_539 : memref<488x128xf32, #tpu.memory_space<vmem>>[vector<16xi32>, vector<16xi32>], vector<16xf32>, vector<16xi1>
      %scan3A_547 = arith.constant 7 : i32
      %mul3A_548 = arith.constant 128 : i32
      %mul3A_549 = arith.muli %scan3A_115, %mul3A_548 : i32
      %mul3A_550 = arith.constant 16 : i32
      %mul3A_551 = arith.muli %scan3A_547, %mul3A_550 : i32
      %add3A_552 = arith.addi %mul3A_549, %mul3A_551 : i32
      %get3A_553 = arith.index_cast %add3A_552 : i32 to index
      %get3A_554 = tpu.vector_load %arg6[%get3A_553] {strides = array<i32>} : memref<2560xi32, #tpu.memory_space<vmem>>, vector<16xi32>,
      %sub3A_555 = arith.constant 512 : i32
      %sub3A_556 = vector.broadcast %sub3A_555 : i32 to vector<16xi32>
      %sub3A_557 = arith.subi %get3A_554, %sub3A_556 : vector<16xi32>
      %ge3A_558 = arith.constant 0 : i32
      %ge3A_559 = vector.broadcast %ge3A_558 : i32 to vector<16xi32>
      %ge3A_560 = arith.cmpi sge, %sub3A_557, %ge3A_559 : vector<16xi32>
      %lt3A_561 = arith.constant 488 : i32
      %lt3A_562 = vector.broadcast %lt3A_561 : i32 to vector<16xi32>
      %lt3A_563 = arith.cmpi slt, %sub3A_557, %lt3A_562 : vector<16xi32>
      %and3A_564 = arith.andi %ge3A_560, %lt3A_563 : vector<16xi1>
      %jit3A_565 = arith.constant 0 : i32
      %broadcast_in_dim3A_566 = vector.broadcast %jit3A_565 : i32 to vector<16xi32>
      %select_n3A_567 = arith.select %and3A_564, %sub3A_557, %broadcast_in_dim3A_566 : vector<16xi1>, vector<16xi32>
      %mul3A_568 = arith.constant 16 : i32
      %mul3A_569 = arith.muli %scan3A_547, %mul3A_568 : i32
      %add3A_570 = vector.broadcast %mul3A_569 : i32 to vector<16xi32>
      %add3A_571 = arith.addi %iota3A, %add3A_570 : vector<16xi32>
      tpu.vector_store_idx %arg5[%select_n3A_567, %add3A_571], %broadcast_in_dim3A_1 masked %and3A_564 : memref<488x128xf32, #tpu.memory_space<vmem>>[vector<16xi32>, vector<16xi32>], vector<16xf32>, vector<16xi1>
      %scan3A_572 = arith.constant 8 : i32
      %mul3A_573 = arith.constant 20 : i32
      %mul3A_574 = arith.muli %add3A, %mul3A_573 : i32
      %add3A_575 = arith.addi %mul3A_574, %scan3A_115 : i32
      %jit3A_576 = arith.constant 32 : i32
      %div3A_577 = arith.divsi %add3A_575, %jit3A_576 : i32
      %sign3A_578 = arith.constant 0 : i32
      %sign3A_579 = arith.cmpi sgt, %add3A_575, %sign3A_578 : i32
      %sign3A_580 = arith.extui %sign3A_579 : i1 to i32
      %sign3A_581 = arith.constant 0 : i32
      %sign3A_582 = arith.cmpi slt, %add3A_575, %sign3A_581 : i32
      %sign3A_583 = arith.extui %sign3A_582 : i1 to i32
      %sign3A_584 = arith.subi %sign3A_580, %sign3A_583 : i32
      %sign3A_585 = arith.constant 0 : i32
      %sign3A_586 = arith.cmpi sgt, %jit3A_576, %sign3A_585 : i32
      %sign3A_587 = arith.extui %sign3A_586 : i1 to i32
      %sign3A_588 = arith.constant 0 : i32
      %sign3A_589 = arith.cmpi slt, %jit3A_576, %sign3A_588 : i32
      %sign3A_590 = arith.extui %sign3A_589 : i1 to i32
      %sign3A_591 = arith.subi %sign3A_587, %sign3A_590 : i32
      %ne3A_592 = arith.cmpi ne, %sign3A_584, %sign3A_591 : i32
      %rem3A_593 = arith.remsi %add3A_575, %jit3A_576 : i32
      %ne3A_594 = arith.constant 0 : i32
      %ne3A_595 = arith.cmpi ne, %rem3A_593, %ne3A_594 : i32
      %and3A_596 = arith.andi %ne3A_592, %ne3A_595 : i1
      %sub3A_597 = arith.constant 1 : i32
      %sub3A_598 = arith.subi %div3A_577, %sub3A_597 : i32
      %select_n3A_599 = arith.select %and3A_596, %sub3A_598, %div3A_577 : i32
      %jit3A_600 = arith.constant 32 : i32
      %eq3A_601 = arith.constant 0 : i32
      %eq3A_602 = arith.cmpi eq, %jit3A_600, %eq3A_601 : i32
      %jit3A_603 = arith.constant 1 : i32
      %select_n3A_604 = arith.select %eq3A_602, %jit3A_603, %jit3A_600 : i32
      %rem3A_605 = arith.remsi %add3A_575, %select_n3A_604 : i32
      %ne3A_606 = arith.constant 0 : i32
      %ne3A_607 = arith.cmpi ne, %rem3A_605, %ne3A_606 : i32
      %lt3A_608 = arith.constant 0 : i32
      %lt3A_609 = arith.cmpi slt, %rem3A_605, %lt3A_608 : i32
      %lt3A_610 = arith.constant 0 : i32
      %lt3A_611 = arith.cmpi slt, %select_n3A_604, %lt3A_610 : i32
      %ne3A_612 = arith.xori %lt3A_609, %lt3A_611 : i1
      %and3A_613 = arith.andi %ne3A_612, %ne3A_607 : i1
      %add3A_614 = arith.addi %rem3A_605, %select_n3A_604 : i32
      %select_n3A_615 = arith.select %and3A_613, %add3A_614, %rem3A_605 : i32
      %mul3A_616 = arith.constant 128 : i32
      %mul3A_617 = arith.muli %select_n3A_615, %mul3A_616 : i32
      %mul3A_618 = arith.constant 1000 : i32
      %mul3A_619 = arith.muli %select_n3A_599, %mul3A_618 : i32
      %add3A_620 = arith.constant 512 : i32
      %add3A_621 = arith.addi %mul3A_619, %add3A_620 : i32
      %dma_start3A_622 = tpu.memref_slice %arg3[%add3A_621, %mul3A_617] : memref<20000x4096xf32, #tpu.memory_space<hbm>> -> memref<488x128xf32, #tpu.memory_space<hbm>>
      %dma_start3A_623 = tpu.memref_slice %arg3[%add3A_621, %mul3A_617] : memref<20000x4096xf32, #tpu.memory_space<hbm>> -> memref<488x128xf32, #tpu.memory_space<hbm>>
      tpu.enqueue_dma source(%arg5 : memref<488x128xf32, #tpu.memory_space<vmem>>) target(%dma_start3A_623 : memref<488x128xf32, #tpu.memory_space<hbm>>) target_semaphore(%arg8 : memref<!tpu.dma_semaphore, #tpu.memory_space<semaphore_mem>>)
    }
    %scan3A_21 = arith.constant 20 : i32
    %mul3A_22 = arith.constant 20 : i32
    %mul3A_23 = arith.muli %add3A, %mul3A_22 : i32
    %add3A_24 = arith.constant 19 : i32
    %add3A_25 = arith.addi %mul3A_23, %add3A_24 : i32
    %jit3A = arith.constant 32 : i32
    %div3A = arith.divsi %add3A_25, %jit3A : i32
    %sign3A = arith.constant 0 : i32
    %sign3A_26 = arith.cmpi sgt, %add3A_25, %sign3A : i32
    %sign3A_27 = arith.extui %sign3A_26 : i1 to i32
    %sign3A_28 = arith.constant 0 : i32
    %sign3A_29 = arith.cmpi slt, %add3A_25, %sign3A_28 : i32
    %sign3A_30 = arith.extui %sign3A_29 : i1 to i32
    %sign3A_31 = arith.subi %sign3A_27, %sign3A_30 : i32
    %sign3A_32 = arith.constant 0 : i32
    %sign3A_33 = arith.cmpi sgt, %jit3A, %sign3A_32 : i32
    %sign3A_34 = arith.extui %sign3A_33 : i1 to i32
    %sign3A_35 = arith.constant 0 : i32
    %sign3A_36 = arith.cmpi slt, %jit3A, %sign3A_35 : i32
    %sign3A_37 = arith.extui %sign3A_36 : i1 to i32
    %sign3A_38 = arith.subi %sign3A_34, %sign3A_37 : i32
    %ne3A = arith.cmpi ne, %sign3A_31, %sign3A_38 : i32
    %rem3A = arith.remsi %add3A_25, %jit3A : i32
    %ne3A_39 = arith.constant 0 : i32
    %ne3A_40 = arith.cmpi ne, %rem3A, %ne3A_39 : i32
    %and3A = arith.andi %ne3A, %ne3A_40 : i1
    %sub3A = arith.constant 1 : i32
    %sub3A_41 = arith.subi %div3A, %sub3A : i32
    %select_n3A = arith.select %and3A, %sub3A_41, %div3A : i32
    %jit3A_42 = arith.constant 32 : i32
    %eq3A = arith.constant 0 : i32
    %eq3A_43 = arith.cmpi eq, %jit3A_42, %eq3A : i32
    %jit3A_44 = arith.constant 1 : i32
    %select_n3A_45 = arith.select %eq3A_43, %jit3A_44, %jit3A_42 : i32
    %rem3A_46 = arith.remsi %add3A_25, %select_n3A_45 : i32
    %ne3A_47 = arith.constant 0 : i32
    %ne3A_48 = arith.cmpi ne, %rem3A_46, %ne3A_47 : i32
    %lt3A = arith.constant 0 : i32
    %lt3A_49 = arith.cmpi slt, %rem3A_46, %lt3A : i32
    %lt3A_50 = arith.constant 0 : i32
    %lt3A_51 = arith.cmpi slt, %select_n3A_45, %lt3A_50 : i32
    %ne3A_52 = arith.xori %lt3A_49, %lt3A_51 : i1
    %and3A_53 = arith.andi %ne3A_52, %ne3A_48 : i1
    %add3A_54 = arith.addi %rem3A_46, %select_n3A_45 : i32
    %select_n3A_55 = arith.select %and3A_53, %add3A_54, %rem3A_46 : i32
    %mul3A_56 = arith.constant 128 : i32
    %mul3A_57 = arith.muli %select_n3A_55, %mul3A_56 : i32
    %mul3A_58 = arith.constant 1000 : i32
    %mul3A_59 = arith.muli %select_n3A, %mul3A_58 : i32
    %add3A_60 = arith.constant 0 : i32
    %add3A_61 = arith.addi %mul3A_59, %add3A_60 : i32
    %dma_wait3A = tpu.memref_slice %arg3[%add3A_61, %mul3A_57] : memref<20000x4096xf32, #tpu.memory_space<hbm>> -> memref<512x128xf32, #tpu.memory_space<hbm>>
    %dma_wait3A_62 = tpu.memref_slice %arg3[%add3A_61, %mul3A_57] : memref<20000x4096xf32, #tpu.memory_space<hbm>> -> memref<512x128xf32, #tpu.memory_space<hbm>>
    tpu.wait_dma2 semaphore(%arg7 : memref<!tpu.dma_semaphore, #tpu.memory_space<semaphore_mem>>) src(%arg4 : memref<512x128xf32, #tpu.memory_space<vmem>>) dst(%dma_wait3A_62 : memref<512x128xf32, #tpu.memory_space<hbm>>)
    %mul3A_63 = arith.constant 20 : i32
    %mul3A_64 = arith.muli %add3A, %mul3A_63 : i32
    %add3A_65 = arith.constant 19 : i32
    %add3A_66 = arith.addi %mul3A_64, %add3A_65 : i32
    %jit3A_67 = arith.constant 32 : i32
    %div3A_68 = arith.divsi %add3A_66, %jit3A_67 : i32
    %sign3A_69 = arith.constant 0 : i32
    %sign3A_70 = arith.cmpi sgt, %add3A_66, %sign3A_69 : i32
    %sign3A_71 = arith.extui %sign3A_70 : i1 to i32
    %sign3A_72 = arith.constant 0 : i32
    %sign3A_73 = arith.cmpi slt, %add3A_66, %sign3A_72 : i32
    %sign3A_74 = arith.extui %sign3A_73 : i1 to i32
    %sign3A_75 = arith.subi %sign3A_71, %sign3A_74 : i32
    %sign3A_76 = arith.constant 0 : i32
    %sign3A_77 = arith.cmpi sgt, %jit3A_67, %sign3A_76 : i32
    %sign3A_78 = arith.extui %sign3A_77 : i1 to i32
    %sign3A_79 = arith.constant 0 : i32
    %sign3A_80 = arith.cmpi slt, %jit3A_67, %sign3A_79 : i32
    %sign3A_81 = arith.extui %sign3A_80 : i1 to i32
    %sign3A_82 = arith.subi %sign3A_78, %sign3A_81 : i32
    %ne3A_83 = arith.cmpi ne, %sign3A_75, %sign3A_82 : i32
    %rem3A_84 = arith.remsi %add3A_66, %jit3A_67 : i32
    %ne3A_85 = arith.constant 0 : i32
    %ne3A_86 = arith.cmpi ne, %rem3A_84, %ne3A_85 : i32
    %and3A_87 = arith.andi %ne3A_83, %ne3A_86 : i1
    %sub3A_88 = arith.constant 1 : i32
    %sub3A_89 = arith.subi %div3A_68, %sub3A_88 : i32
    %select_n3A_90 = arith.select %and3A_87, %sub3A_89, %div3A_68 : i32
    %jit3A_91 = arith.constant 32 : i32
    %eq3A_92 = arith.constant 0 : i32
    %eq3A_93 = arith.cmpi eq, %jit3A_91, %eq3A_92 : i32
    %jit3A_94 = arith.constant 1 : i32
    %select_n3A_95 = arith.select %eq3A_93, %jit3A_94, %jit3A_91 : i32
    %rem3A_96 = arith.remsi %add3A_66, %select_n3A_95 : i32
    %ne3A_97 = arith.constant 0 : i32
    %ne3A_98 = arith.cmpi ne, %rem3A_96, %ne3A_97 : i32
    %lt3A_99 = arith.constant 0 : i32
    %lt3A_100 = arith.cmpi slt, %rem3A_96, %lt3A_99 : i32
    %lt3A_101 = arith.constant 0 : i32
    %lt3A_102 = arith.cmpi slt, %select_n3A_95, %lt3A_101 : i32
    %ne3A_103 = arith.xori %lt3A_100, %lt3A_102 : i1
    %and3A_104 = arith.andi %ne3A_103, %ne3A_98 : i1
    %add3A_105 = arith.addi %rem3A_96, %select_n3A_95 : i32
    %select_n3A_106 = arith.select %and3A_104, %add3A_105, %rem3A_96 : i32
    %mul3A_107 = arith.constant 128 : i32
    %mul3A_108 = arith.muli %select_n3A_106, %mul3A_107 : i32
    %mul3A_109 = arith.constant 1000 : i32
    %mul3A_110 = arith.muli %select_n3A_90, %mul3A_109 : i32
    %add3A_111 = arith.constant 512 : i32
    %add3A_112 = arith.addi %mul3A_110, %add3A_111 : i32
    %dma_wait3A_113 = tpu.memref_slice %arg3[%add3A_112, %mul3A_108] : memref<20000x4096xf32, #tpu.memory_space<hbm>> -> memref<488x128xf32, #tpu.memory_space<hbm>>
    %dma_wait3A_114 = tpu.memref_slice %arg3[%add3A_112, %mul3A_108] : memref<20000x4096xf32, #tpu.memory_space<hbm>> -> memref<488x128xf32, #tpu.memory_space<hbm>>
    tpu.wait_dma2 semaphore(%arg8 : memref<!tpu.dma_semaphore, #tpu.memory_space<semaphore_mem>>) src(%arg5 : memref<488x128xf32, #tpu.memory_space<vmem>>) dst(%dma_wait3A_114 : memref<488x128xf32, #tpu.memory_space<hbm>>)
    return
  }
}

</mosaic_0001>

<sc_bundles>
// kernel: kernel.3.cloned.1.call-start
scs
__scs_entry_jumppad:
0x0: {  	(pc) =	sbr.rel $0x88, $3  }
0x1: {  	(tag) =	ssettag $0x0;
	lr =	simm.s32 $0x1  }
0x2: {  	[smem:$0x3FA0] =	sst lr;
	_ =	strace $0xD0000000  }
0x3: {  	_ = 	snop  }
0x4: {  	_ = 	snop  }
0x5: {  	_ = 	snop  }
0x6: {  	_ = 	snop  }
0x7: {  	_ = 	snop  }
__scs_overlays_trampoline_lowered:
0x8: {  	[smem:$0x3FAF] =	sst s0  }
0x9: {  	[smem:$0x3FB0] =	sst s1  }
0xa: {  	[smem:$0x3FB1] =	sst s2  }
0xb: {  	[smem:$0x3FB2] =	sst s3  }
0xc: {  	[smem:$0x3FB3] =	sst s4  }
0xd: {  	[smem:$0x3FB4] =	sst s5  }
0xe: {  	[smem:$0x3FB5] =	sst s6  }
0xf: {  	[smem:$0x3FB6] =	sst s7  }
0x10: {  	[smem:$0x3FB7] =	sst s8  }
0x11: {  	[smem:$0x3FB8] =	sst s9;
	s0 =	simm.s32 @!p0 $0x0  }
0x12: {  	s1 =	sld [smem:$0x3F9E];
	s0 =	simm.s32 @p0 $0x1  }
0x13: {  	[smem:$0x3FB9] =	sst s0;
	s0 =	simm.s32 @!p1 $0x0  }
0x14: {  	s2 =	sld [smem:$0x3F9D];
	s0 =	simm.s32 @p1 $0x1  }
0x15: {  	[smem:$0x3FBA] =	sst s0;
	s0 =	simm.s32 @!p2 $0x0  }
0x16: {  	s3 =	sld [smem:$0x3FDB];
	s0 =	simm.s32 @p2 $0x1  }
0x17: {  	s4 =	simm.s32 $0x1BF5;
	[smem:$0x3FBC] =	sst s0  }
0x18: {  	s0 =	sld [smem:$0x3F9F];
	_ =	swait.ge [sflag:s4], $0x0  }
0x19: {  	s7 =	sld [smem:$0x3FA0]  }
0x1a: {  	s8 =	sadd.s32 $0xFFFFE003, lr  }
0x1b: {  	s9 =	sadd.s32 $0xFFFFFEF7, lr;
	s5 =	simm.s32 $0xFFFFFFFF;
	p2 =	slt.u32 s8, $0xFFFFF086  }
0x1c: {  	p1 =	slt.u32 s9, $0xF7A;
	s5 =	simm.s32 @!p2 $0x0  }
0x1d: {  	s5 =	simm.s32 @p1 $0x1;
	p0 =	seq.s32 s7, s2  }
0x1e: {  	s7 =	smul.u32 @!p0 $0xF7A, s2;
	p2 =	seq.s32 @!p0 s5, $0x0  }
0x1f: {  	s9 =	smul.u32 $0xF7A, s1;
	s8 =	simm.s32 @!p0 $0x1BF5;
	p2 =	por !p2, p0  }
0x20: {  	[sflag:s8] =	ssyncset.s32 @!p0 $0xFFFFF086;
	s6 =	sadd.s32 @!p0 s3, s7;
	s7 =	simm.s32 @!p0 $0x108  }
0x21: {  	s3 =	sadd.s32 s3, s9;
	s6 =	sadd.s32 @!p0 $0x88, s6;
	s7 =	simm.s32 @p2 $0x1082  }
0x22: {  	[simem:s7], [sflag:s8] =	dma.local @!p0 [hbm:s6], $0xF7A  }
0x23: {  	s9 =	sor.u32 $0xD0000000, s2;
	s6 =	simm.s32 $0x108;
	_ =	swait.ge @!p0 [sflag:s8], $0x0  }
0x24: {  	s3 =	sadd.s32 $0x88, s3;
	s6 =	simm.s32 @!p1 $0x1082;
	[sflag:s4] =	ssyncset.s32 $0xFFFFF086  }
0x25: {  	[simem:s6], [sflag:s4] =	dma.local [hbm:s3], $0xF7A  }
0x26: {  	[smem:$0x3FA0] =	sst s1;
	(tag) =	ssettag s2;
	_ =	strace s9  }
0x27: {  	s1 =	sld [smem:$0x3FB0]  }
0x28: {  	s2 =	sld [smem:$0x3FB1]  }
0x29: {  	s4 =	sld [smem:$0x3FB3]  }
0x2a: {  	p0 =	seq.s32 s5, $0x0;
	s5 =	sld [smem:$0x3FB4]  }
0x2b: {  	s6 =	sld [smem:$0x3FB5]  }
0x2c: {  	s7 =	sld [smem:$0x3FB6]  }
0x2d: {  	s3 =	simm.s32 $0x108;
	s8 =	sld [smem:$0x3FB7]  }
0x2e: {  	s3 =	simm.s32 @!p0 $0x1082;
	s9 =	sld [smem:$0x3FB8]  }
0x2f: {  	lr =	sadd.s32 s0, s3;
	s0 =	sld [smem:$0x3FAF]  }
0x30: {  	s3 =	sld [smem:$0x3FB2]  }
0x31: {  	[smem:$0x3FBB] =	sst s10  }
0x32: {  	s10 =	sld [smem:$0x3FB9];
	_ =	sdelay $0x3  }
0x33: {  	p0 =	seq.s32 s10, $0x1;
	s10 =	sld [smem:$0x3FBB];
	_ =	sdelay $0x3  }
0x34: {  	[smem:$0x3FBB] =	sst s10  }
0x35: {  	s10 =	sld [smem:$0x3FBA];
	_ =	sdelay $0x3  }
0x36: {  	p1 =	seq.s32 s10, $0x1;
	s10 =	sld [smem:$0x3FBB];
	_ =	sdelay $0x3  }
0x37: {  	[smem:$0x3FBB] =	sst s10  }
0x38: {  	s10 =	sld [smem:$0x3FBC]  }
0x39: {  	_ = 	snop;
	(pc) =	sbr.ind lr, $3  }
0x3a: {  	_ = 	snop  }
0x3b: {  	_ = 	snop  }
0x3c: {  	p2 =	seq.s32 s10, $0x1;
	s10 =	sld [smem:$0x3FBB]  }
0x3d: {  	_ =	shalt  }
0x3e: {  	_ =	shalt  }
0x3f: {  	_ =	shalt  }
0x40: {  	_ =	shalt  }
0x41: {  	_ =	shalt  }
0x42: {  	_ =	shalt  }
0x43: {  	_ =	shalt  }
0x44: {  	_ =	shalt  }
0x45: {  	_ =	shalt  }
0x46: {  	_ =	shalt  }
0x47: {  	_ =	shalt  }
0x48: {  	_ =	shalt  }
0x49: {  	_ =	shalt  }
0x4a: {  	_ =	shalt  }
0x4b: {  	_ =	shalt  }
0x4c: {  	_ =	shalt  }
0x4d: {  	_ =	shalt  }
0x4e: {  	_ =	shalt  }
0x4f: {  	_ =	shalt  }
0x50: {  	_ =	shalt  }
0x51: {  	_ =	shalt  }
0x52: {  	_ =	shalt  }
0x53: {  	_ =	shalt  }
0x54: {  	_ =	shalt  }
0x55: {  	_ =	shalt  }
0x56: {  	_ =	shalt  }
0x57: {  	_ =	shalt  }
0x58: {  	_ =	shalt  }
0x59: {  	_ =	shalt  }
0x5a: {  	_ =	shalt  }
0x5b: {  	_ =	shalt  }
0x5c: {  	_ =	shalt  }
0x5d: {  	_ =	shalt  }
0x5e: {  	_ =	shalt  }
0x5f: {  	_ =	shalt  }
0x60: {  	_ =	shalt  }
0x61: {  	_ =	shalt  }
0x62: {  	_ =	shalt  }
0x63: {  	_ =	shalt  }
0x64: {  	_ =	shalt  }
0x65: {  	_ =	shalt  }
0x66: {  	_ =	shalt  }
0x67: {  	_ =	shalt  }
0x68: {  	_ =	shalt  }
0x69: {  	_ =	shalt  }
0x6a: {  	_ =	shalt  }
0x6b: {  	_ =	shalt  }
0x6c: {  	_ =	shalt  }
0x6d: {  	_ =	shalt  }
0x6e: {  	_ =	shalt  }
0x6f: {  	_ =	shalt  }
0x70: {  	_ =	shalt  }
0x71: {  	_ =	shalt  }
0x72: {  	_ =	shalt  }
0x73: {  	_ =	shalt  }
0x74: {  	_ =	shalt  }
0x75: {  	_ =	shalt  }
0x76: {  	_ =	shalt  }
0x77: {  	_ =	shalt  }
0x78: {  	_ =	shalt  }
0x79: {  	_ =	shalt  }
0x7a: {  	_ =	shalt  }
0x7b: {  	_ =	shalt  }
0x7c: {  	_ =	shalt  }
0x7d: {  	_ =	shalt  }
0x7e: {  	_ =	shalt  }
0x7f: {  	_ =	shalt  }
0x80: {  	_ =	shalt  }
0x81: {  	_ =	shalt  }
0x82: {  	_ =	shalt  }
0x83: {  	_ =	shalt  }
0x84: {  	_ =	shalt  }
0x85: {  	_ =	shalt  }
0x86: {  	_ =	shalt  }
0x87: {  	_ =	shalt  }
.Lfunc_end0:
.L_simem_size_0:
called_computation_lowered:
.L_overlay_start_0:
0x88: {  	s2 =	sld [smem:$0x3FD9]  }
0x89: {  	s3 =	sld [smem:$0x3FFE];
	_ =	sdelay $0x1  }
0x8a: {  	s1 =	srdreg.scid  }
0x8b: {  	s0 =	sand.u32 $0x1, s1  }
0x8c: {  	s17 =	sshll.u32 s0, $0xA;
	s2 =	sadd.s32 s3, s2  }
0x8d: {  	s2 =	sadd.s32 s2, s17  }
0x8e: {  	[smem:$0x3FC7] =	sst s2  }
0x8f: {  	_ = 	snop  }
0x90: {  	s2 =	sld [smem:$0x3FD0];
	(tm) =	ssettm $0x1  }
0x91: {  	s18 =	sld [smem:$0x3FFB];
	_ =	sdelay $0x3  }
0x92: {  	_ =	strace s18  }
0x93: {  	s3 =	sld [smem:$0x3FFC];
	_ =	sdelay $0x3  }
0x94: {  	_ =	strace s3  }
0x95: {  	s3 =	sld [smem:$0x3FFD];
	_ =	sdelay $0x3  }
0x96: {  	_ =	strace s3  }
0x97: {  	_ =	strace $0x8FFFFFFF  }
0x98: {  	s19 =	sld [smem:$0x3FDB];
	_ =	sdelay $0x1  }
0x99: {  	s4 =	simm.s32 $_scs_section_size  }
0x9a: {  	s5 =	simm.s32 $_size__tile_overlayer_lowered;
	s6 =	simm.s32 $_tile_overlayer_lowered  }
0x9b: {  	s22 =	simm.s32 $0x1BFF;
	s21 =	sshll.u32 s6, $0x1;
	s3 =	sadd.s32 s4, s19  }
0x9c: {  	s7 =	simm.s32 $0x0;
	s20 =	sshll.u32 s5, $0x1;
	s5 =	sadd.s32 s21, s3  }
0x9d: {  	[timem:s7], [sflag:s22] =	dma.local [hbm:s5], s20  }
0x9e: {  	_ =	swait.ge [sflag:s22], s20  }
0x9f: {  	s4 =	ssub.s32 $0x0, s20;
	[sflag:s22] =	ssyncset.done $0x0  }
0xa0: {  	[sflag:s22] =	ssyncadd.s32 s4;
	_ =	sdelay $0x1  }
0xa1: {  	s23 =	simm.s32 $0x1B8B  }
0xa2: {  	_ =	swait.ge [sflag:s23], $0x1  }
0xa3: {  	[sflag:s23] =	ssyncset.done $0x0  }
0xa4: {  	s25 =	simm.s32 $0x1B8E;
	s24 =	sld [smem:$0x3FFE];
	[sflag:s23] =	ssyncadd.s32 $0xFFFFFFFF  }
0xa5: {  	s26 =	simm.s32 $execute0_lowered;
	[smem:$0x3FD2] =	sst s25  }
0xa6: {  	s5 =	sshll.u32 s26, $0x1;
	_ =	strace $0x80000046;
	[dreg:$0x1] =	wrdreg $0xFFFFFFFF  }
0xa7: {  	s28 =	simm.s32 $_size_execute0_lowered;
	s3 =	sadd.s32 s3, s5;
	[dreg:$0x0] =	wrdreg $0x0  }
0xa8: {  	s5 =	sshll.u32 s28, $0x1;
	[dreg:$0x2] =	wrdreg s3  }
0xa9: {  	[dreg:$0x3] =	wrdreg s5  }
0xaa: {  	[dreg:$0x4] =	wrdreg $0xC0  }
0xab: {  	_ =	task [dreg:s7], $0x5FFFF  }
0xac: {  	[dreg:$0x1] =	wrdreg $0xFFFFFFFF  }
0xad: {  	[dreg:$0x0] =	wrdreg $0x60  }
0xae: {  	[dreg:$0x2] =	wrdreg s24  }
0xaf: {  	[dreg:$0x3] =	wrdreg s2  }
0xb0: {  	[dreg:$0x4] =	wrdreg $0x9  }
0xb1: {  	_ =	task.clear_ibuf [dreg:s7], $0x5FFFF;
	_ =	strace $0x90000046  }
0xb2: {  	s29 =	simm.s32 $0x9;
	_ =	strace $0x80000048  }
0xb3: {  	_ =	swait.ge [sflag:s29], $0x1  }
0xb4: {  	[sflag:s29] =	ssyncadd.s32 $0xFFFFFFFF  }
0xb5: {  	_ =	strace $0x90000048  }
0xb6: {  	_ =	sfence  }
0xb7: {  	s30 =	sld [smem:$0x0];
	_ =	sdelay $0x2  }
0xb8: {  	s31 =	sshll.u32 s1, $0xD;
	s1 =	sshrl.u32 s1, $0x2  }
0xb9: {  	s3 =	sand.u32 $0x4000, s31;
	s1 =	sadd.s32 s1, s30  }
0xba: {  	s0 =	sor.u32 s3, s0;
	s1 =	sshll.u32 s1, $0x11  }
0xbb: {  	s0 =	sor.u32 s1, s0  }
0xbc: {  	s0 =	sadd.s32 $0x8F2B, s0  }
0xbd: {  	[sflag:s0] =	ssyncadd.remote.s32 $0x1  }
0xbe: {  	_ =	sfence.sel $0xFFFF  }
0xbf: {  	[dreg:$0x0] =	wrdreg $0xFFFFFFFF;
	(pc) =	sbr.abs _section_cstart, $3  }
0xc0: {  	[dreg:$0x1] =	wrdreg $0xFFFFFFFF  }
0xc1: {  	_ =	task.clear_ibuf [dreg:s7], $0x2FFFF;
	_ =	strace $0x9FFFFFFF  }
0xc2: {  	(tm) =	ssettm $0x7FFFFFFF  }
0xc3: {  	_ =	shalt  }
tec
execute0_lowered:
.L_overlay_start_1:
0x0: {  	(tag) =	ssettag $0x1  }
0x1: {  	s1 =	srdreg.scid;
	s5 =	rddreg [dreg:$0x0]  }
0x2: {  	s0 =	stileid.u32;
	s2 =	rddreg [dreg:$0x1];
	s3 =	simm.s32 $0x0  }
0x3: {  	s12 =	simm.s32 $0x8000;
	s13 =	simm.s32 $0x1;
	s7 =	smul.u32 $0x28, s0  }
0x4: {  	s14 =	simm.s32 $0x2;
	s4 =	sand.u32 $0x1, s1;
	s11 =	smul.u32 $0xA000, s0  }
0x5: {  	v0 =	vlaneseq.u32;
	vm0 =	vcmask $0x3F04;
	s15 =	simm.s32 $0x0;
	s29 =	sshll.u32 s0, $0x1;
	s9 =	smul.u32 $0x14, s4  }
0x6: {  	v1 =	vimm.s32 $0x0;
	v2 =	vimm.f32 $0.0e+00;
	v10 =	vimm.f32 $1.000000000e+00;
	s1 =	sor.u32 s4, s29;
	s8 =	ssub.s32 $0x2, s4;
	s31 =	smul.u32 $0x5000, s4  }
0x7: {  	[smem:$0x7FF] =	sst s3;
	v3 =	vor.u32 $0x10, v0;
	v4 =	vor.u32 $0x20, v0;
	v5 =	vor.u32 $0x30, v0;
	s6 =	smul.u32 $0x140, s1;
	s10 =	sshrl.u32 s8, $0x1  }
0x8: {  	v6 =	vor.u32 $0x40, v0;
	v7 =	vor.u32 $0x50, v0;
	v8 =	vor.u32 $0x60, v0;
	s1 =	rddreg [dreg:$0x2];
	_ =	strace $0x80000047;
	s30 =	ssub.s32 s8, s10  }
0x9: {  	v9 =	vor.u32 $0x70, v0;
	v11 =	vor.u32 $0xFFFF0000, v0;
	v12 =	vor.u32 $0xFFFF0010, v0;
	s8 =	simm.s32 $0x1F400;
	s10 =	simm.s32 $0x10000;
	s5 =	sadd.s32 s6, s5  }
0xa: {  	v13 =	vor.u32 $0xFFFF0020, v0;
	v14 =	vor.u32 $0xFFFF0030, v0;
	v15 =	vor.u32 $0xFFFF0040, v0;
	s6 =	sadd.s32 s9, s7;
	s7 =	sadd.s32 s31, s11;
	s9 =	simm.s32 $0x3  }
0xb: {  	v16 =	vor.u32 $0xFFFF0050, v0;
	v17 =	vor.u32 $0xFFFF0060, v0;
	v18 =	vor.u32 $0xFFFF0070, v0;
	s11 =	simm.s32 $0x400;
	s4 =	sadd.s32 $0x400, s5;
	s5 =	smax.u32 s30, $0x1  }
.LBB2_1:
0xc: {  	v19 =	vmov s3  }
0xd: {  	vm1 =	veq.s32 v19, v0  }
0xe: {  	vm1 =	vmand vm1, vm0  }
0xf: {  	v20 =	vsel vm1, $0xFFFFFFFF, v1  }
0x10: {  	v19 =	vand.u32 $0xFFFFFF80, v19;
	v20 =	vshll.u32 v20, $0x7  }
0x11: {  	v21 =	vbroadcast v19, $0x0;
	v19 =	vadd.s32 s3, v20  }
0x12: {  	[tilespmem:s8], [sflag:$0x3] =	stream.linear.gather [hbm4b:s4+s3], $0xA00, $0x38;
	v20 =	vor.u32 v0, v19;
	[tilespmem:$0x1FE00] =	vst v63  }
0x13: {  	s16 =	simm.s32 $0x80;
	v22 =	vor.u32 v3, v21  }
0x14: {  	_ =	swait.ge [sflag:s9], $0xA00;
	v23 =	vor.u32 v4, v21;
	v19 =	vmov s16  }
0x15: {  	[sflag:s9] =	ssyncset.done $0x0;
	v26 =	vor.u32 v5, v21;
	vm1 =	veq.s32 v19, v0  }
0x16: {  	[sflag:s9] =	ssyncadd.s32 $0xFFFFF600;
	v27 =	vor.u32 v6, v21;
	vm1 =	vmand vm1, vm0  }
0x17: {  	v24 =	vor.u32 v7, v21;
	[tilespmem:v20+s3+$0x0] =	vst.idx.msk $0xffff, v2;
	v20 =	vsel vm1, $0xFFFFFFFF, v1  }
0x18: {  	v25 =	vor.u32 v8, v21;
	v19 =	vand.u32 $0xFFFFFF80, v19;
	[tilespmem:v22+s3+$0x0] =	vst.idx.msk $0xffff, v2;
	v22 =	vshll.u32 v20, $0x7  }
0x19: {  	v19 =	vbroadcast v19, $0x0;
	[tilespmem:v23+s3+$0x0] =	vst.idx.msk $0xffff, v2;
	v23 =	vadd.s32 s16, v22;
	v22 =	vor.u32 v9, v21  }
0x1a: {  	[tilespmem:v26+s3+$0x0] =	vst.idx.msk $0xffff, v2;
	v23 =	vor.u32 v0, v23  }
0x1b: {  	s17 =	simm.s32 $0x8;
	s18 =	simm.s32 $0x100;
	v20 =	vor.u32 v4, v19;
	v21 =	vor.u32 v3, v19;
	s16 =	simm.s32 $0x0;
	[tilespmem:v27+s3+$0x0] =	vst.idx.msk $0xffff, v2  }
.LBB2_2:
0x1c: {  	v26 =	vmov s18;
	s17 =	sadd.s32 $0x8, s17;
	[tilespmem:v24+s16+$0x0] =	vst.idx.msk $0xffff, v2  }
0x1d: {  	vm1 =	veq.s32 v26, v0;
	v24 =	vand.u32 $0xFFFFFF80, v26;
	p0 =	slt.u32 s17, $0xFF8;
	v26 =	vor.u32 v5, v19;
	[tilespmem:v25+s16+$0x0] =	vst.idx.msk $0xffff, v2  }
0x1e: {  	v28 =	vor.u32 v6, v19;
	vm1 =	vmand vm1, vm0;
	v27 =	vbroadcast v24, $0x0;
	[tilespmem:v22+s16+$0x0] =	vst.idx.msk $0xffff, v2;
	s16 =	simm.s32 $0x0  }
.Ltmp0:
0x1f: {  	v24 =	vor.u32 v7, v19;
	v22 =	vsel vm1, $0xFFFFFFFF, v1;
	[tilespmem:v23+s16+$0x0] =	vst.idx.msk $0xffff, v2;
	(pc) =	sbr.rel @p0 .LBB2_2-.Ltmp0, $4  }
0x20: {  	v25 =	vor.u32 v8, v19;
	v22 =	vshll.u32 v22, $0x7;
	v23 =	vor.u32 v4, v27;
	[tilespmem:v21+s16+$0x0] =	vst.idx.msk $0xffff, v2  }
0x21: {  	v21 =	vadd.s32 s18, v22;
	[tilespmem:v20+s16+$0x0] =	vst.idx.msk $0xffff, v2;
	v22 =	vor.u32 v9, v19;
	v19 =	vmovc v27;
	v20 =	vmov v23  }
0x22: {  	v23 =	vor.u32 v0, v21;
	[tilespmem:v26+s16+$0x0] =	vst.idx.msk $0xffff, v2  }
0x23: {  	s18 =	sadd.s32 $0x80, s18;
	v21 =	vor.u32 v3, v19;
	[tilespmem:v28+s16+$0x0] =	vst.idx.msk $0xffff, v2  }
0x24: {  	_ =	sdelay $0x3  }
0x25: {  	[tilespmem:v24+s16+$0x0] =	vst.idx.msk $0xffff, v2  }
0x26: {  	v24 =	vmov s16;
	v26 =	vor.u32 v5, v19;
	[tilespmem:v25+s16+$0x0] =	vst.idx.msk $0xffff, v2  }
0x27: {  	vm1 =	veq.s32 v24, v0;
	v25 =	vor.u32 v6, v19;
	[tilespmem:v22+s16+$0x0] =	vst.idx.msk $0xffff, v2  }
0x28: {  	vm1 =	vmand vm1, vm0;
	v22 =	vor.u32 v7, v19;
	[tilespmem:v23+s16+$0x0] =	vst.idx.msk $0xffff, v2  }
0x29: {  	v23 =	vsel vm1, $0xFFFFFFFF, v1;
	[tilespmem:v21+s16+$0x0] =	vst.idx.msk $0xffff, v2;
	v21 =	vor.u32 v8, v19  }
0x2a: {  	v24 =	vand.u32 $0xFFFFFF80, v24;
	v23 =	vshll.u32 v23, $0x7;
	[tilespmem:v20+s16+$0x0] =	vst.idx.msk $0xffff, v2  }
0x2b: {  	v27 =	vbroadcast v24, $0x0;
	v19 =	vor.u32 v9, v19;
	v20 =	vadd.s32 s16, v23;
	[tilespmem:v26+s16+$0x0] =	vst.idx.msk $0xffff, v2  }
0x2c: {  	v20 =	vor.u32 v0, v20;
	[tilespmem:v25+s16+$0x0] =	vst.idx.msk $0xffff, v2  }
0x2d: {  	s17 =	simm.s32 $0x80;
	v23 =	vor.u32 v3, v27;
	[tilespmem:v22+s16+$0x0] =	vst.idx.msk $0xffff, v2  }
0x2e: {  	v22 =	vor.u32 v4, v27;
	[tilespmem:v21+s16+$0x0] =	vst.idx.msk $0xffff, v2;
	v21 =	vmov s17  }
0x2f: {  	v25 =	vor.u32 v5, v27;
	vm1 =	veq.s32 v21, v0  }
0x30: {  	v26 =	vor.u32 v6, v27;
	[tilespmem:v19+s16+$0x0] =	vst.idx.msk $0xffff, v2;
	vm1 =	vmand vm1, vm0  }
0x31: {  	v19 =	vand.u32 $0xFFFFFF80, v21;
	v21 =	vor.u32 v7, v27;
	[tilespmem:v20+s10+$0x0] =	vst.idx.msk $0xffff, v2;
	v20 =	vsel vm1, $0xFFFFFFFF, v1  }
0x32: {  	v24 =	vor.u32 v8, v27;
	[tilespmem:v23+s10+$0x0] =	vst.idx.msk $0xffff, v2;
	v23 =	vshll.u32 v20, $0x7  }
0x33: {  	v19 =	vbroadcast v19, $0x0;
	[tilespmem:v22+s10+$0x0] =	vst.idx.msk $0xffff, v2;
	v22 =	vor.u32 v9, v27;
	v23 =	vadd.s32 s17, v23  }
0x34: {  	[tilespmem:v25+s10+$0x0] =	vst.idx.msk $0xffff, v2;
	v25 =	vor.u32 v0, v23  }
0x35: {  	s18 =	simm.s32 $0x100;
	v20 =	vor.u32 v4, v19;
	s17 =	simm.s32 $0x8;
	v23 =	vor.u32 v3, v19;
	[tilespmem:v26+s10+$0x0] =	vst.idx.msk $0xffff, v2  }
.LBB2_4:
0x36: {  	v26 =	vmov s18;
	s17 =	sadd.s32 $0x8, s17;
	[tilespmem:v21+s10+$0x0] =	vst.idx.msk $0xffff, v2  }
0x37: {  	vm1 =	veq.s32 v26, v0;
	v21 =	vand.u32 $0xFFFFFF80, v26;
	p0 =	slt.u32 s17, $0xF38;
	v26 =	vor.u32 v5, v19;
	[tilespmem:v24+s10+$0x0] =	vst.idx.msk $0xffff, v2  }
0x38: {  	v28 =	vor.u32 v6, v19;
	vm1 =	vmand vm1, vm0;
	v27 =	vbroadcast v21, $0x0;
	[tilespmem:v22+s10+$0x0] =	vst.idx.msk $0xffff, v2  }
.Ltmp1:
0x39: {  	v21 =	vor.u32 v7, v19;
	v22 =	vsel vm1, $0xFFFFFFFF, v1;
	[tilespmem:v25+s10+$0x0] =	vst.idx.msk $0xffff, v2;
	(pc) =	sbr.rel @p0 .LBB2_4-.Ltmp1, $4  }
0x3a: {  	v24 =	vor.u32 v8, v19;
	v22 =	vshll.u32 v22, $0x7;
	v25 =	vor.u32 v4, v27;
	[tilespmem:v23+s10+$0x0] =	vst.idx.msk $0xffff, v2  }
0x3b: {  	v23 =	vadd.s32 s18, v22;
	[tilespmem:v20+s10+$0x0] =	vst.idx.msk $0xffff, v2;
	v22 =	vor.u32 v9, v19;
	v19 =	vmovc v27;
	v20 =	vmov v25  }
0x3c: {  	v25 =	vor.u32 v0, v23;
	[tilespmem:v26+s10+$0x0] =	vst.idx.msk $0xffff, v2  }
0x3d: {  	s18 =	sadd.s32 $0x80, s18;
	v23 =	vor.u32 v3, v19;
	[tilespmem:v28+s10+$0x0] =	vst.idx.msk $0xffff, v2  }
0x3e: {  	_ =	sdelay $0x3  }
0x3f: {  	[tilespmem:v21+s10+$0x0] =	vst.idx.msk $0xffff, v2  }
0x40: {  	v60 =	vor.u32 v5, v19;
	[tilespmem:v24+s10+$0x0] =	vst.idx.msk $0xffff, v2  }
0x41: {  	v61 =	vor.u32 v6, v19;
	[tilespmem:v22+s10+$0x0] =	vst.idx.msk $0xffff, v2  }
0x42: {  	v62 =	vor.u32 v7, v19;
	[tilespmem:v25+s10+$0x0] =	vst.idx.msk $0xffff, v2  }
0x43: {  	v63 =	vor.u32 v8, v19;
	[tilespmem:v23+s10+$0x0] =	vst.idx.msk $0xffff, v2  }
0x44: {  	v19 =	vor.u32 v9, v19;
	[tilespmem:v20+s10+$0x0] =	vst.idx.msk $0xffff, v2  }
0x45: {  	[tilespmem:v60+s10+$0x0] =	vst.idx.msk $0xffff, v2  }
0x46: {  	[tilespmem:v61+s10+$0x0] =	vst.idx.msk $0xffff, v2  }
0x47: {  	[tilespmem:v62+s10+$0x0] =	vst.idx.msk $0xffff, v2  }
0x48: {  	[tilespmem:v63+s10+$0x0] =	vst.idx.msk $0xffff, v2  }
0x49: {  	s17 =	smov.u32 s7;
	s18 =	smov.u32 s6;
	[tilespmem:v19+s10+$0x0] =	vst.idx.msk $0xffff, v2  }
.LBB2_6:
0x4a: {  	p0 =	seq.s32 s16, $0x0  }
0x4b: {  	s19 =	simm.s32 @!p0 $0x1  }
0x4c: {  	_ =	swait.ge @!p0 [sflag:s19], $0x10000  }
0x4d: {  	[sflag:s19] =	ssyncset.done @!p0 $0x0  }
0x4e: {  	[sflag:s19] =	ssyncadd.s32 @!p0 $0xFFFF0000;
	s19 =	sshra.s32 @!p0 s16, $0x2  }
0x4f: {  	v19 =	vld @!p0 [tilespmem:s19+$0x1F380];
	_ =	sdelay $0x4  }
0x50: {  	v21 =	vlaneseq.u32 @!p0;
	v20 =	vshll.u32 @!p0 v19, $0x7  }
0x51: {  	vm1 =	vlt.u32 @!p0 v19, $0x200;
	v19 =	vor.u32 @!p0 v21, v20  }
0x52: {  	v19 =	vsel @!p0 vm1, v19, v21;
	_ =	sdelay $0x3  }
0x53: {  	s20 =	simm.s32 @!p0 $0x0;
	v20 =	vimm.f32 @!p0 $0.0e+00  }
0x54: {  	[tilespmem:v19+s20+$0x0] =	vst.idx.msk @!p0 vm1, v20  }
0x55: {  	v19 =	vld @!p0 [tilespmem:s19+$0x1F390];
	_ =	sdelay $0x4  }
0x56: {  	v23 =	vor.u32 @!p0 $0x10, v21;
	v22 =	vshll.u32 @!p0 v19, $0x7  }
0x57: {  	vm1 =	vlt.u32 @!p0 v19, $0x200;
	v19 =	vor.u32 @!p0 v23, v22  }
0x58: {  	v19 =	vsel @!p0 vm1, v19, v23;
	_ =	sdelay $0x4  }
0x59: {  	[tilespmem:v19+s20+$0x0] =	vst.idx.msk @!p0 vm1, v20  }
0x5a: {  	v19 =	vld @!p0 [tilespmem:s19+$0x1F3A0];
	_ =	sdelay $0x4  }
0x5b: {  	v23 =	vor.u32 @!p0 $0x20, v21;
	v22 =	vshll.u32 @!p0 v19, $0x7  }
0x5c: {  	vm1 =	vlt.u32 @!p0 v19, $0x200;
	v19 =	vor.u32 @!p0 v23, v22  }
0x5d: {  	v19 =	vsel @!p0 vm1, v19, v23;
	_ =	sdelay $0x4  }
0x5e: {  	[tilespmem:v19+s20+$0x0] =	vst.idx.msk @!p0 vm1, v20  }
0x5f: {  	v19 =	vld @!p0 [tilespmem:s19+$0x1F3B0];
	_ =	sdelay $0x4  }
0x60: {  	v23 =	vor.u32 @!p0 $0x30, v21;
	v22 =	vshll.u32 @!p0 v19, $0x7  }
0x61: {  	vm1 =	vlt.u32 @!p0 v19, $0x200;
	v19 =	vor.u32 @!p0 v23, v22  }
0x62: {  	v19 =	vsel @!p0 vm1, v19, v23;
	_ =	sdelay $0x4  }
0x63: {  	[tilespmem:v19+s20+$0x0] =	vst.idx.msk @!p0 vm1, v20  }
0x64: {  	v19 =	vld @!p0 [tilespmem:s19+$0x1F3C0];
	_ =	sdelay $0x4  }
0x65: {  	v23 =	vor.u32 @!p0 $0x40, v21;
	v22 =	vshll.u32 @!p0 v19, $0x7  }
0x66: {  	vm1 =	vlt.u32 @!p0 v19, $0x200;
	v19 =	vor.u32 @!p0 v23, v22  }
0x67: {  	v19 =	vsel @!p0 vm1, v19, v23;
	_ =	sdelay $0x4  }
0x68: {  	[tilespmem:v19+s20+$0x0] =	vst.idx.msk @!p0 vm1, v20  }
0x69: {  	v19 =	vld @!p0 [tilespmem:s19+$0x1F3D0];
	_ =	sdelay $0x4  }
0x6a: {  	v23 =	vor.u32 @!p0 $0x50, v21;
	v22 =	vshll.u32 @!p0 v19, $0x7  }
0x6b: {  	vm1 =	vlt.u32 @!p0 v19, $0x200;
	v19 =	vor.u32 @!p0 v23, v22  }
0x6c: {  	v19 =	vsel @!p0 vm1, v19, v23;
	_ =	sdelay $0x4  }
0x6d: {  	[tilespmem:v19+s20+$0x0] =	vst.idx.msk @!p0 vm1, v20  }
0x6e: {  	v19 =	vld @!p0 [tilespmem:s19+$0x1F3E0];
	_ =	sdelay $0x4  }
0x6f: {  	v23 =	vor.u32 @!p0 $0x60, v21;
	v22 =	vshll.u32 @!p0 v19, $0x7  }
0x70: {  	vm1 =	vlt.u32 @!p0 v19, $0x200;
	v19 =	vor.u32 @!p0 v23, v22  }
0x71: {  	v19 =	vsel @!p0 vm1, v19, v23;
	_ =	sdelay $0x4  }
0x72: {  	[tilespmem:v19+s20+$0x0] =	vst.idx.msk @!p0 vm1, v20  }
0x73: {  	v19 =	vld @!p0 [tilespmem:s19+$0x1F3F0];
	_ =	sdelay $0x4  }
0x74: {  	v21 =	vor.u32 @!p0 $0x70, v21;
	v22 =	vshll.u32 @!p0 v19, $0x7  }
0x75: {  	vm1 =	vlt.u32 @!p0 v19, $0x200;
	v19 =	vor.u32 @!p0 v21, v22  }
0x76: {  	v19 =	vsel @!p0 vm1, v19, v21;
	_ =	sdelay $0x2  }
0x77: {  	s19 =	smov.u32 s16  }
0x78: {  	s19 =	simm.s32 @p0 $0x0  }
0x79: {  	s19 =	sshra.s32 s19, $0x2;
	[tilespmem:v19+s20+$0x0] =	vst.idx.msk @!p0 vm1, v20  }
0x7a: {  	v19 =	vld [tilespmem:s19+$0x1F400];
	_ =	sdelay $0x4  }
0x7b: {  	v20 =	vshll.u32 v19, $0x7  }
0x7c: {  	vm1 =	vlt.u32 v19, $0x200;
	v19 =	vor.u32 v0, v20  }
0x7d: {  	v19 =	vsel vm1, v19, v0;
	_ =	sdelay $0x4  }
0x7e: {  	[tilespmem:v19+s3+$0x0] =	vst.idx.msk vm1, v10  }
0x7f: {  	v19 =	vld [tilespmem:s19+$0x1F410];
	_ =	sdelay $0x4  }
0x80: {  	v20 =	vshll.u32 v19, $0x7  }
0x81: {  	vm1 =	vlt.u32 v19, $0x200;
	v19 =	vor.u32 v3, v20  }
0x82: {  	v19 =	vsel vm1, v19, v3;
	_ =	sdelay $0x4  }
0x83: {  	[tilespmem:v19+s3+$0x0] =	vst.idx.msk vm1, v10  }
0x84: {  	v19 =	vld [tilespmem:s19+$0x1F420];
	_ =	sdelay $0x4  }
0x85: {  	v20 =	vshll.u32 v19, $0x7  }
0x86: {  	vm1 =	vlt.u32 v19, $0x200;
	v19 =	vor.u32 v4, v20  }
0x87: {  	v19 =	vsel vm1, v19, v4;
	_ =	sdelay $0x4  }
0x88: {  	[tilespmem:v19+s3+$0x0] =	vst.idx.msk vm1, v10  }
0x89: {  	v19 =	vld [tilespmem:s19+$0x1F430];
	_ =	sdelay $0x4  }
0x8a: {  	v20 =	vshll.u32 v19, $0x7  }
0x8b: {  	vm1 =	vlt.u32 v19, $0x200;
	v19 =	vor.u32 v5, v20  }
0x8c: {  	v19 =	vsel vm1, v19, v5;
	_ =	sdelay $0x4  }
0x8d: {  	[tilespmem:v19+s3+$0x0] =	vst.idx.msk vm1, v10  }
0x8e: {  	v19 =	vld [tilespmem:s19+$0x1F440];
	_ =	sdelay $0x4  }
0x8f: {  	v20 =	vshll.u32 v19, $0x7  }
0x90: {  	vm1 =	vlt.u32 v19, $0x200;
	v19 =	vor.u32 v6, v20  }
0x91: {  	v19 =	vsel vm1, v19, v6;
	_ =	sdelay $0x4  }
0x92: {  	[tilespmem:v19+s3+$0x0] =	vst.idx.msk vm1, v10  }
0x93: {  	v19 =	vld [tilespmem:s19+$0x1F450];
	_ =	sdelay $0x4  }
0x94: {  	v20 =	vshll.u32 v19, $0x7  }
0x95: {  	vm1 =	vlt.u32 v19, $0x200;
	v19 =	vor.u32 v7, v20  }
0x96: {  	v19 =	vsel vm1, v19, v7;
	_ =	sdelay $0x4  }
0x97: {  	[tilespmem:v19+s3+$0x0] =	vst.idx.msk vm1, v10  }
0x98: {  	v19 =	vld [tilespmem:s19+$0x1F460];
	_ =	sdelay $0x4  }
0x99: {  	v20 =	vshll.u32 v19, $0x7  }
0x9a: {  	vm1 =	vlt.u32 v19, $0x200;
	v19 =	vor.u32 v8, v20  }
0x9b: {  	v19 =	vsel vm1, v19, v8;
	_ =	sdelay $0x4  }
0x9c: {  	[tilespmem:v19+s3+$0x0] =	vst.idx.msk vm1, v10  }
0x9d: {  	v19 =	vld [tilespmem:s19+$0x1F470];
	_ =	sdelay $0x4  }
0x9e: {  	v20 =	vshll.u32 v19, $0x7  }
0x9f: {  	vm1 =	vlt.u32 v19, $0x200;
	v19 =	vor.u32 v9, v20  }
0xa0: {  	s30 =	sshrl.u32 s18, $0x5;
	v19 =	vsel vm1, v19, v9  }
0xa1: {  	s20 =	smul.u32 $0x3E8000, s30  }
0xa2: {  	s21 =	sand.u32 $0x7C00, s17  }
0xa3: {  	s22 =	sor.u32 s21, s20  }
0xa4: {  	s22 =	sshrl.u32 s22, $0x3  }
0xa5: {  	s22 =	sadd.s32 s2, s22;
	[tilespmem:v19+s3+$0x0] =	vst.idx.msk vm1, v10  }
0xa6: {  	[hbm4b:s22+s11] =	stream.strided.scatter [tilespmem:s3], [sflag:$0x1], $0x10000, s12, s11, $0x38;
	[tilespmem:$0x1FE00] =	vst v63  }
0xa7: {  	_ =	swait.ge @!p0 [sflag:s14], $0xF400  }
0xa8: {  	[sflag:s14] =	ssyncset.done @!p0 $0x0  }
0xa9: {  	[sflag:s14] =	ssyncadd.s32 @!p0 $0xFFFF0C00  }
0xaa: {  	v19 =	vld @!p0 [tilespmem:s19+$0x1F380];
	_ =	sdelay $0x4  }
0xab: {  	v20 =	vadd.s32 @!p0 $0xFFFFFE00, v19;
	v19 =	vshll.u32 @!p0 v19, $0x7  }
0xac: {  	vm1 =	vlt.u32 @!p0 v20, $0x1E8;
	v19 =	vadd.s32 @!p0 v11, v19  }
0xad: {  	v19 =	vsel @!p0 vm1, v19, v0;
	_ =	sdelay $0x4  }
0xae: {  	[tilespmem:v19+s10+$0x0] =	vst.idx.msk @!p0 vm1, v2  }
0xaf: {  	v19 =	vld @!p0 [tilespmem:s19+$0x1F390];
	_ =	sdelay $0x4  }
0xb0: {  	v20 =	vadd.s32 @!p0 $0xFFFFFE00, v19;
	v19 =	vshll.u32 @!p0 v19, $0x7  }
0xb1: {  	vm1 =	vlt.u32 @!p0 v20, $0x1E8;
	v19 =	vadd.s32 @!p0 v12, v19  }
0xb2: {  	v19 =	vsel @!p0 vm1, v19, v3;
	_ =	sdelay $0x4  }
0xb3: {  	[tilespmem:v19+s10+$0x0] =	vst.idx.msk @!p0 vm1, v2  }
0xb4: {  	v19 =	vld @!p0 [tilespmem:s19+$0x1F3A0];
	_ =	sdelay $0x4  }
0xb5: {  	v20 =	vadd.s32 @!p0 $0xFFFFFE00, v19;
	v19 =	vshll.u32 @!p0 v19, $0x7  }
0xb6: {  	vm1 =	vlt.u32 @!p0 v20, $0x1E8;
	v19 =	vadd.s32 @!p0 v13, v19  }
0xb7: {  	v19 =	vsel @!p0 vm1, v19, v4;
	_ =	sdelay $0x4  }
0xb8: {  	[tilespmem:v19+s10+$0x0] =	vst.idx.msk @!p0 vm1, v2  }
0xb9: {  	v19 =	vld @!p0 [tilespmem:s19+$0x1F3B0];
	_ =	sdelay $0x4  }
0xba: {  	v20 =	vadd.s32 @!p0 $0xFFFFFE00, v19;
	v19 =	vshll.u32 @!p0 v19, $0x7  }
0xbb: {  	vm1 =	vlt.u32 @!p0 v20, $0x1E8;
	v19 =	vadd.s32 @!p0 v14, v19  }
0xbc: {  	v19 =	vsel @!p0 vm1, v19, v5;
	_ =	sdelay $0x4  }
0xbd: {  	[tilespmem:v19+s10+$0x0] =	vst.idx.msk @!p0 vm1, v2  }
0xbe: {  	v19 =	vld @!p0 [tilespmem:s19+$0x1F3C0];
	_ =	sdelay $0x4  }
0xbf: {  	v20 =	vadd.s32 @!p0 $0xFFFFFE00, v19;
	v19 =	vshll.u32 @!p0 v19, $0x7  }
0xc0: {  	vm1 =	vlt.u32 @!p0 v20, $0x1E8;
	v19 =	vadd.s32 @!p0 v15, v19  }
0xc1: {  	v19 =	vsel @!p0 vm1, v19, v6;
	_ =	sdelay $0x4  }
0xc2: {  	[tilespmem:v19+s10+$0x0] =	vst.idx.msk @!p0 vm1, v2  }
0xc3: {  	v19 =	vld @!p0 [tilespmem:s19+$0x1F3D0];
	_ =	sdelay $0x4  }
0xc4: {  	v20 =	vadd.s32 @!p0 $0xFFFFFE00, v19;
	v19 =	vshll.u32 @!p0 v19, $0x7  }
0xc5: {  	vm1 =	vlt.u32 @!p0 v20, $0x1E8;
	v19 =	vadd.s32 @!p0 v16, v19  }
0xc6: {  	v19 =	vsel @!p0 vm1, v19, v7;
	_ =	sdelay $0x4  }
0xc7: {  	[tilespmem:v19+s10+$0x0] =	vst.idx.msk @!p0 vm1, v2  }
0xc8: {  	v19 =	vld @!p0 [tilespmem:s19+$0x1F3E0];
	_ =	sdelay $0x4  }
0xc9: {  	v20 =	vadd.s32 @!p0 $0xFFFFFE00, v19;
	v19 =	vshll.u32 @!p0 v19, $0x7  }
0xca: {  	vm1 =	vlt.u32 @!p0 v20, $0x1E8;
	v19 =	vadd.s32 @!p0 v17, v19  }
0xcb: {  	v19 =	vsel @!p0 vm1, v19, v8;
	_ =	sdelay $0x4  }
0xcc: {  	[tilespmem:v19+s10+$0x0] =	vst.idx.msk @!p0 vm1, v2  }
0xcd: {  	v19 =	vld @!p0 [tilespmem:s19+$0x1F3F0];
	_ =	sdelay $0x4  }
0xce: {  	v20 =	vadd.s32 @!p0 $0xFFFFFE00, v19;
	v19 =	vshll.u32 @!p0 v19, $0x7  }
0xcf: {  	vm1 =	vlt.u32 @!p0 v20, $0x1E8;
	v19 =	vadd.s32 @!p0 v18, v19  }
0xd0: {  	v19 =	vsel @!p0 vm1, v19, v9;
	_ =	sdelay $0x4  }
0xd1: {  	[tilespmem:v19+s10+$0x0] =	vst.idx.msk @!p0 vm1, v2  }
0xd2: {  	v19 =	vld [tilespmem:s19+$0x1F400];
	_ =	sdelay $0x4  }
0xd3: {  	v20 =	vadd.s32 $0xFFFFFE00, v19;
	v19 =	vshll.u32 v19, $0x7  }
0xd4: {  	vm1 =	vlt.u32 v20, $0x1E8;
	v19 =	vadd.s32 v11, v19  }
0xd5: {  	v19 =	vsel vm1, v19, v0;
	_ =	sdelay $0x4  }
0xd6: {  	[tilespmem:v19+s10+$0x0] =	vst.idx.msk vm1, v10  }
0xd7: {  	v19 =	vld [tilespmem:s19+$0x1F410];
	_ =	sdelay $0x4  }
0xd8: {  	v20 =	vadd.s32 $0xFFFFFE00, v19;
	v19 =	vshll.u32 v19, $0x7  }
0xd9: {  	vm1 =	vlt.u32 v20, $0x1E8;
	v19 =	vadd.s32 v12, v19  }
0xda: {  	v19 =	vsel vm1, v19, v3;
	_ =	sdelay $0x4  }
0xdb: {  	[tilespmem:v19+s10+$0x0] =	vst.idx.msk vm1, v10  }
0xdc: {  	v19 =	vld [tilespmem:s19+$0x1F420];
	_ =	sdelay $0x4  }
0xdd: {  	v20 =	vadd.s32 $0xFFFFFE00, v19;
	v19 =	vshll.u32 v19, $0x7  }
0xde: {  	vm1 =	vlt.u32 v20, $0x1E8;
	v19 =	vadd.s32 v13, v19  }
0xdf: {  	v19 =	vsel vm1, v19, v4;
	_ =	sdelay $0x4  }
0xe0: {  	[tilespmem:v19+s10+$0x0] =	vst.idx.msk vm1, v10  }
0xe1: {  	v19 =	vld [tilespmem:s19+$0x1F430];
	_ =	sdelay $0x4  }
0xe2: {  	v20 =	vadd.s32 $0xFFFFFE00, v19;
	v19 =	vshll.u32 v19, $0x7  }
0xe3: {  	vm1 =	vlt.u32 v20, $0x1E8;
	v19 =	vadd.s32 v14, v19  }
0xe4: {  	v19 =	vsel vm1, v19, v5;
	_ =	sdelay $0x4  }
0xe5: {  	[tilespmem:v19+s10+$0x0] =	vst.idx.msk vm1, v10  }
0xe6: {  	v19 =	vld [tilespmem:s19+$0x1F440];
	_ =	sdelay $0x4  }
0xe7: {  	v20 =	vadd.s32 $0xFFFFFE00, v19;
	v19 =	vshll.u32 v19, $0x7  }
0xe8: {  	vm1 =	vlt.u32 v20, $0x1E8;
	v19 =	vadd.s32 v15, v19  }
0xe9: {  	v19 =	vsel vm1, v19, v6;
	_ =	sdelay $0x4  }
0xea: {  	[tilespmem:v19+s10+$0x0] =	vst.idx.msk vm1, v10  }
0xeb: {  	v19 =	vld [tilespmem:s19+$0x1F450];
	_ =	sdelay $0x4  }
0xec: {  	v20 =	vadd.s32 $0xFFFFFE00, v19;
	v19 =	vshll.u32 v19, $0x7  }
0xed: {  	vm1 =	vlt.u32 v20, $0x1E8;
	v19 =	vadd.s32 v16, v19  }
0xee: {  	v19 =	vsel vm1, v19, v7;
	_ =	sdelay $0x4  }
0xef: {  	[tilespmem:v19+s10+$0x0] =	vst.idx.msk vm1, v10  }
0xf0: {  	v19 =	vld [tilespmem:s19+$0x1F460];
	_ =	sdelay $0x4  }
0xf1: {  	v20 =	vadd.s32 $0xFFFFFE00, v19;
	v19 =	vshll.u32 v19, $0x7  }
0xf2: {  	vm1 =	vlt.u32 v20, $0x1E8;
	v19 =	vadd.s32 v17, v19  }
0xf3: {  	v19 =	vsel vm1, v19, v8;
	_ =	sdelay $0x4  }
0xf4: {  	[tilespmem:v19+s10+$0x0] =	vst.idx.msk vm1, v10  }
0xf5: {  	v19 =	vld [tilespmem:s19+$0x1F470];
	_ =	sdelay $0x4  }
0xf6: {  	v20 =	vadd.s32 $0xFFFFFE00, v19;
	v19 =	vshll.u32 v19, $0x7  }
0xf7: {  	vm1 =	vlt.u32 v20, $0x1E8;
	v19 =	vadd.s32 v18, v19  }
0xf8: {  	s16 =	sadd.s32 $0x200, s16;
	v19 =	vsel vm1, v19, v9  }
0xf9: {  	p0 =	sne.s32 s16, $0x2800  }
.Ltmp2:
0xfa: {  	s31 =	sadd.s32 s21, s20;
	(pc) =	sbr.rel @p0 .LBB2_6-.Ltmp2, $4  }
0xfb: {  	s19 =	sadd.s32 $0x200000, s31  }
0xfc: {  	s19 =	sshrl.u32 s19, $0x3  }
0xfd: {  	s18 =	sadd.s32 $0x1, s18;
	s17 =	sadd.s32 $0x400, s17;
	s19 =	sadd.s32 s2, s19;
	[tilespmem:v19+s10+$0x0] =	vst.idx.msk vm1, v10  }
0xfe: {  	[hbm4b:s19+s11] =	stream.strided.scatter [tilespmem:s10], [sflag:$0x2], $0xF400, s12, s11, $0x38;
	[tilespmem:$0x1FE00] =	vst v63  }
0xff: {  	s15 =	sadd.s32 $0x1, s15  }
0x100: {  	_ =	swait.ge [sflag:s13], $0x10000;
	p0 =	sne.s32 s15, s5  }
.Ltmp3:
0x101: {  	[sflag:s13] =	ssyncset.done $0x0;
	(pc) =	sbr.rel @p0 .LBB2_1-.Ltmp3, $4  }
0x102: {  	[sflag:s13] =	ssyncadd.s32 $0xFFFF0000  }
0x103: {  	_ =	swait.ge [sflag:s14], $0xF400  }
0x104: {  	[sflag:s14] =	ssyncset.done $0x0  }
0x105: {  	[sflag:s14] =	ssyncadd.s32 $0xFFFF0C00  }
0x106: {  	_ =	sfence.sel $0x180000  }
0x107: {  	[bflag:$0x0] =	sbarrier.arrive $0xFFFF  }
0x108: {  	p0 =	sne.s32 s0, $0x0;
	_ =	strace $0x90000047  }
0x109: {  	s0 =	sadd.s32 @!p0 $0x100000, s1;
	[bflag:$0x2] =	sbarrier.arrive $0xFFFF  }
0x10a: {  	[sflag:s0] =	ssyncadd.tile.s32 @!p0 $0x1;
	_ =	shalt  }
.Lfunc_end2:
_tile_overlayer_lowered:
.L_overlay_start_2:
0x10b: {  	(tag) =	ssettag $0x2  }
0x10c: {  	s0 =	rddreg [dreg:$0x0];
	s2 =	stileid.u32  }
0x10d: {  	s1 =	rddreg [dreg:$0x1];
	p0 =	sne.s32 s2, $0x0  }
0x10e: {  	s3 =	rddreg [dreg:$0x2];
	[bflag:$0x3] =	sbarrier.arrive $0xFFFF;
	s2 =	simm.s32 @!p0 $0x1C03  }
0x10f: {  	[timem:s3], [sflag:s2] =	dma.local @!p0 [hbm:s0], s1  }
0x110: {  	s0 =	simm.s32 @!p0 $0x3  }
0x111: {  	_ =	swait.ge @!p0 [sflag:s0], s1  }
0x112: {  	s1 =	ssub.s32 @!p0 $0x0, s1;
	[sflag:s0] =	ssyncset.done @!p0 $0x0  }
0x113: {  	[sflag:s0] =	ssyncadd.s32 @!p0 s1  }
0x114: {  	[bflag:$0x3] =	sbarrier.arrive $0xFFFF  }
0x115: {  	_ =	shalt  }

</sc_bundles>
